<compile_context>
chip_gen: v7x
topology: tpu7x:2x2x1
jax: 0.10.2.dev20260603
libtpu: 0.0.44.dev20260713+nightly
codegen_flags: <defaults>
</compile_context>

<pallas_src>
import functools

import jax
import jax.numpy as jnp
from jax import lax
from jax.experimental import pallas as pl
from jax.experimental.pallas import tpu as pltpu
from jax.experimental.pallas import tpu_sc as plsc

D = 64
B = 1024
L = 50
N_IDX = B * L

_info = plsc.get_sparse_core_info()
_NC, _NS = _info.num_cores, _info.num_subcores
_NW = _NC * _NS
_B_PER_W = N_IDX // _NW
_CHUNK = 400
_N_CHUNKS = _B_PER_W // _CHUNK


_DP = 128


def _item_gather_sc():
    mesh = plsc.VectorSubcoreMesh(core_axis_name="c", subcore_axis_name="s")

    @functools.partial(
        pl.kernel,
        mesh=mesh,
        out_type=jax.ShapeDtypeStruct((N_IDX, D), jnp.float32),
        scratch_types=[
            pltpu.VMEM((_B_PER_W,), jnp.int32),
            pltpu.VMEM((_CHUNK, _DP), jnp.float32),
            pltpu.VMEM((_CHUNK, _DP), jnp.float32),
            pltpu.SemaphoreType.DMA,
            pltpu.SemaphoreType.DMA,
        ],
        compiler_params=pltpu.CompilerParams(use_tc_tiling_on_sc=False),
    )
    def gather_item(idx_hbm, table_hbm, out_hbm, idx_v, rows0, rows1, gsem, ssem):
        wid = lax.axis_index("s") * _NC + lax.axis_index("c")
        base = wid * _B_PER_W
        pltpu.sync_copy(idx_hbm.at[pl.ds(base, _B_PER_W)], idx_v)
        bufs = (rows0, rows1)
        gathers = [None] * _N_CHUNKS
        scatters = [None] * _N_CHUNKS
        gathers[0] = pltpu.async_copy(
            table_hbm.at[idx_v.at[pl.ds(0, _CHUNK)]], bufs[0], gsem
        )
        for c in range(_N_CHUNKS):
            buf = bufs[c % 2]
            gathers[c].wait()
            scatters[c] = pltpu.async_copy(
                buf.at[:, pl.ds(0, D)],
                out_hbm.at[pl.ds(base + c * _CHUNK, _CHUNK)],
                ssem,
            )
            nxt = c + 1
            if nxt < _N_CHUNKS:
                if nxt >= 2:
                    scatters[nxt - 2].wait()
                gathers[nxt] = pltpu.async_copy(
                    table_hbm.at[idx_v.at[pl.ds(nxt * _CHUNK, _CHUNK)]],
                    bufs[nxt % 2],
                    gsem,
                )
        scatters[_N_CHUNKS - 2].wait()
        scatters[_N_CHUNKS - 1].wait()

    return gather_item


_L_BLK = 5


def _small_lookup_tc_body(ha_i, ma_i, sa_i, hb_i, mb_i, sb_i,
                          ht_a, mt_a, st_a, ht_b, mt_b, st_b,
                          o1, o2, o3, o4, o5, o6):
    pairs = [
        (ha_i, ht_a, o1), (ma_i, mt_a, o2), (sa_i, st_a, o3),
        (hb_i, ht_b, o4), (mb_i, mt_b, o5), (sb_i, st_b, o6),
    ]
    l0 = pl.program_id(0) * _L_BLK
    for idx_ref, tab_ref, out_ref in pairs:
        t_rows = tab_ref.shape[0]
        tab = tab_ref[...]
        iota = lax.broadcasted_iota(jnp.int32, (t_rows, B), 0)
        for j in range(_L_BLK):
            row = idx_ref[l0 + j, :]
            onehot = jnp.where(iota == row[None, :], 1.0, 0.0).astype(jnp.float32)
            out_ref[j, :, :] = lax.dot_general(
                tab, onehot,
                ((( 0,), (0,)), ((), ())),
                preferred_element_type=jnp.float32,
                precision=lax.Precision.HIGHEST,
            )


def _small_lookup_tc(idxTs, tables):
    idx_spec = pl.BlockSpec((L, B), lambda i: (0, 0))
    tab_specs = [
        pl.BlockSpec((t.shape[0], D), lambda i: (0, 0)) for t in tables
    ]
    out_spec = pl.BlockSpec((_L_BLK, D, B), lambda i: (i, 0, 0))
    out_struct = jax.ShapeDtypeStruct((L, D, B), jnp.float32)
    return pl.pallas_call(
        _small_lookup_tc_body,
        grid=(L // _L_BLK,),
        in_specs=[idx_spec] * 6 + tab_specs,
        out_specs=[out_spec] * 6,
        out_shape=[out_struct] * 6,
    )(*idxTs, *tables)


def kernel(session, h_a_o, m_a_o, s_a_o, h_b_o, m_b_o, s_b_o,
           item_table, hour_table_a, minute_table_a, second_table_a,
           hour_table_b, minute_table_b, second_table_b):
    table_pad = jnp.pad(item_table, ((0, 7), (0, _DP - D)))
    item_out = _item_gather_sc()(session.reshape(N_IDX), table_pad)

    idxTs = [a.T for a in (h_a_o, m_a_o, s_a_o, h_b_o, m_b_o, s_b_o)]
    tables = [hour_table_a, minute_table_a, second_table_a,
              hour_table_b, minute_table_b, second_table_b]
    small = _small_lookup_tc(idxTs, tables)

    outs = [item_out.reshape(B, L, D)]
    outs += [jnp.transpose(y, (2, 0, 1)) for y in small]
    return tuple(outs)

# --- scband reference (transcript-rebuilt; emitter-appended) ---
"""Pipeline reference for scband-module-1-6-62251255988397 (READ-ONLY COPY).

The authoritative reference and input builder live on the scoring server;
editing this copy changes nothing except your own understanding.
"""

import jax, jax.numpy as jnp
import numpy as np

N_ITEMS = 1000000
D = 64
B = 1024
L = 50


def setup_inputs(seed: int = 0) -> dict:
    key = jax.random.key(seed)
    ks = jax.random.split(key, 14)
    session = jax.random.randint(ks[0], (B, L), 0, N_ITEMS)
    h_a_o = jax.random.randint(ks[1], (B, L), 0, 24)
    m_a_o = jax.random.randint(ks[2], (B, L), 0, 61)
    s_a_o = jax.random.randint(ks[3], (B, L), 0, 61)
    h_b_o = jax.random.randint(ks[4], (B, L), 0, 24)
    m_b_o = jax.random.randint(ks[5], (B, L), 0, 61)
    s_b_o = jax.random.randint(ks[6], (B, L), 0, 61)
    # Embedding tables (padding rows zeroed, matching nn.Embedding padding_idx)
    item_table = jax.random.normal(ks[7], (N_ITEMS + 1, D), dtype=jnp.float32) * 0.02
    item_table = item_table.at[N_ITEMS].set(0.0)
    hour_table_a = jax.random.normal(ks[8], (25, D), dtype=jnp.float32) * 0.02
    hour_table_a = hour_table_a.at[24].set(0.0)
    minute_table_a = jax.random.normal(ks[9], (61, D), dtype=jnp.float32) * 0.02
    minute_table_a = minute_table_a.at[60].set(0.0)
    second_table_a = jax.random.normal(ks[10], (61, D), dtype=jnp.float32) * 0.02
    second_table_a = second_table_a.at[60].set(0.0)
    hour_table_b = jax.random.normal(ks[11], (25, D), dtype=jnp.float32) * 0.02
    hour_table_b = hour_table_b.at[24].set(0.0)
    minute_table_b = jax.random.normal(ks[12], (61, D), dtype=jnp.float32) * 0.02
    minute_table_b = minute_table_b.at[60].set(0.0)
    second_table_b = jax.random.normal(ks[13], (61, D), dtype=jnp.float32) * 0.02
    second_table_b = second_table_b.at[60].set(0.0)
    return {
        "session": session,
        "h_a_o": h_a_o, "m_a_o": m_a_o, "s_a_o": s_a_o,
        "h_b_o": h_b_o, "m_b_o": m_b_o, "s_b_o": s_b_o,
        "item_table": item_table,
        "hour_table_a": hour_table_a, "minute_table_a": minute_table_a, "second_table_a": second_table_a,
        "hour_table_b": hour_table_b, "minute_table_b": minute_table_b, "second_table_b": second_table_b,
    }


def reference(session, h_a_o, m_a_o, s_a_o, h_b_o, m_b_o, s_b_o,
              item_table, hour_table_a, minute_table_a, second_table_a,
              hour_table_b, minute_table_b, second_table_b):
    session = session.astype(jnp.int64) if session.dtype != jnp.int32 else session
    session_embedding = jnp.take(item_table, session, axis=0)
    h_b = jnp.clip(h_b_o, 0, 23)
    m_b = jnp.clip(m_b_o, 0, 60)
    s_b = jnp.clip(s_b_o, 0, 60)
    h_a = jnp.clip(h_a_o, 0, 23)
    m_a = jnp.clip(m_a_o, 0, 60)
    s_a = jnp.clip(s_a_o, 0, 60)
    hour_embedding_a = jnp.take(hour_table_a, h_a, axis=0)
    minute_embedding_a = jnp.take(minute_table_a, m_a, axis=0)
    second_embedding_a = jnp.take(second_table_a, s_a, axis=0)
    hour_embedding_b = jnp.take(hour_table_b, h_b, axis=0)
    minute_embedding_b = jnp.take(minute_table_b, m_b, axis=0)
    second_embedding_b = jnp.take(second_table_b, s_b, axis=0)
    return (session_embedding, hour_embedding_a, minute_embedding_a, second_embedding_a,
            hour_embedding_b, minute_embedding_b, second_embedding_b)

if __name__ == "__main__":
    import jax
    _d = setup_inputs()
    print(jax.jit(kernel)(*tuple(_d.values())))

</pallas_src>

<mosaic_0001>
#map = affine_map<(d0, d1) -> (0)>
#map1 = affine_map<(d0, d1) -> (0, 0)>
module attributes {stable_mosaic.version = 14 : i64} {
  func.func @gather_item(%arg0: i32, %arg1: i32, %arg2: memref<51200xi32, #tpu.memory_space<hbm>>, %arg3: memref<1000008x128xf32, #tpu.memory_space<hbm>>, %arg4: memref<51200x64xf32, #tpu.memory_space<hbm>>, %arg5: memref<1600xi32, #tpu.memory_space<vmem>>, %arg6: memref<400x128xf32, #tpu.memory_space<vmem>>, %arg7: memref<400x128xf32, #tpu.memory_space<vmem>>, %arg8: memref<!tpu.dma_semaphore, #tpu.memory_space<semaphore_mem>>, %arg9: memref<!tpu.dma_semaphore, #tpu.memory_space<semaphore_mem>>) attributes {dimension_semantics = [#tpu.dimension_semantics<core_parallel>, #tpu.dimension_semantics<subcore_parallel>], iteration_bounds = array<i64: 2, 16>, scalar_prefetch = 0 : i64, scratch_operands = 5 : i64, tpu.core_type = #tpu.core_type<sc_vector_subcore>, window_params = [{transform_indices = #map}, {transform_indices = #map1}, {transform_indices = #map1}]} {
    %mul3A = arith.constant 2 : i32
    %mul3A_0 = arith.muli %arg1, %mul3A : i32
    %add3A = arith.addi %mul3A_0, %arg0 : i32
    %mul3A_1 = arith.constant 1600 : i32
    %mul3A_2 = arith.muli %add3A, %mul3A_1 : i32
    "tpu.region"() ({
      %run_scoped3A = tpu.sem_alloc : memref<!tpu.dma_semaphore, #tpu.memory_space<semaphore_mem>>
      %dma_start3A_129 = tpu.memref_slice %arg2[%mul3A_2] : memref<51200xi32, #tpu.memory_space<hbm>> -> memref<1600xi32, #tpu.memory_space<hbm>>
      %dma_start3A_130 = tpu.memref_slice %arg2[%mul3A_2] : memref<51200xi32, #tpu.memory_space<hbm>> -> memref<1600xi32, #tpu.memory_space<hbm>>
      tpu.enqueue_dma source(%dma_start3A_130 : memref<1600xi32, #tpu.memory_space<hbm>>) target(%arg5 : memref<1600xi32, #tpu.memory_space<vmem>>) target_semaphore(%run_scoped3A : memref<!tpu.dma_semaphore, #tpu.memory_space<semaphore_mem>>)
      %dma_wait3A_131 = tpu.memref_slice %arg2[%mul3A_2] : memref<51200xi32, #tpu.memory_space<hbm>> -> memref<1600xi32, #tpu.memory_space<hbm>>
      %dma_wait3A_132 = tpu.memref_slice %arg2[%mul3A_2] : memref<51200xi32, #tpu.memory_space<hbm>> -> memref<1600xi32, #tpu.memory_space<hbm>>
      tpu.wait_dma2 semaphore(%run_scoped3A : memref<!tpu.dma_semaphore, #tpu.memory_space<semaphore_mem>>) src(%dma_wait3A_132 : memref<1600xi32, #tpu.memory_space<hbm>>) dst(%arg5 : memref<1600xi32, #tpu.memory_space<vmem>>)
      tpu.yield
    }) : () -> ()
    %dma_start3A = arith.constant 0 : i32
    %dma_start3A_3 = tpu.memref_slice %arg5[%dma_start3A] : memref<1600xi32, #tpu.memory_space<vmem>> -> memref<400xi32, #tpu.memory_space<vmem>>
    %dma_start3A_4 = arith.constant 0 : i32
    %dma_start3A_5 = arith.constant 0 : i32
    %dma_start3A_6 = tpu.memref_slice %arg3[%dma_start3A_4, %dma_start3A_5] : memref<1000008x128xf32, #tpu.memory_space<hbm>> -> memref<1000008x128xf32, #tpu.memory_space<hbm>>
    tpu.enqueue_indirect_dma source(%dma_start3A_6 : memref<1000008x128xf32, #tpu.memory_space<hbm>>) target(%arg6 : memref<400x128xf32, #tpu.memory_space<vmem>>) offsets(%dma_start3A_3 : memref<400xi32, #tpu.memory_space<vmem>>) semaphore(%arg8 : memref<!tpu.dma_semaphore, #tpu.memory_space<semaphore_mem>>)
    %dma_wait3A = arith.constant 0 : i32
    %dma_wait3A_7 = tpu.memref_slice %arg5[%dma_wait3A] : memref<1600xi32, #tpu.memory_space<vmem>> -> memref<400xi32, #tpu.memory_space<vmem>>
    %dma_wait3A_8 = arith.constant 0 : i32
    %dma_wait3A_9 = arith.constant 0 : i32
    %dma_wait3A_10 = tpu.memref_slice %arg3[%dma_wait3A_8, %dma_wait3A_9] : memref<1000008x128xf32, #tpu.memory_space<hbm>> -> memref<1000008x128xf32, #tpu.memory_space<hbm>>
    tpu.wait_indirect_dma semaphore(%arg8 : memref<!tpu.dma_semaphore, #tpu.memory_space<semaphore_mem>>) src(%dma_wait3A_10 : memref<1000008x128xf32, #tpu.memory_space<hbm>>) dst(%arg6 : memref<400x128xf32, #tpu.memory_space<vmem>>)
    %add3A_11 = arith.constant 0 : i32
    %add3A_12 = arith.addi %mul3A_2, %add3A_11 : i32
    %dma_start3A_13 = arith.constant 0 : i32
    %dma_start3A_14 = arith.constant 0 : i32
    %dma_start3A_15 = tpu.memref_slice %arg6[%dma_start3A_13, %dma_start3A_14] : memref<400x128xf32, #tpu.memory_space<vmem>> -> memref<400x64xf32, #tpu.memory_space<vmem>>
    %dma_start3A_16 = arith.constant 0 : i32
    %dma_start3A_17 = tpu.memref_slice %arg4[%add3A_12, %dma_start3A_16] : memref<51200x64xf32, #tpu.memory_space<hbm>> -> memref<400x64xf32, #tpu.memory_space<hbm>>
    %dma_start3A_18 = arith.constant 0 : i32
    %dma_start3A_19 = tpu.memref_slice %arg4[%add3A_12, %dma_start3A_18] : memref<51200x64xf32, #tpu.memory_space<hbm>> -> memref<400x64xf32, #tpu.memory_space<hbm>>
    %dma_start3A_20 = arith.constant 0 : i32
    %dma_start3A_21 = arith.constant 0 : i32
    %dma_start3A_22 = tpu.memref_slice %arg6[%dma_start3A_20, %dma_start3A_21] : memref<400x128xf32, #tpu.memory_space<vmem>> -> memref<400x64xf32, #tpu.memory_space<vmem>>
    tpu.enqueue_dma source(%dma_start3A_22 : memref<400x64xf32, #tpu.memory_space<vmem>>) target(%dma_start3A_19 : memref<400x64xf32, #tpu.memory_space<hbm>>) target_semaphore(%arg9 : memref<!tpu.dma_semaphore, #tpu.memory_space<semaphore_mem>>)
    %dma_start3A_23 = arith.constant 400 : i32
    %dma_start3A_24 = tpu.memref_slice %arg5[%dma_start3A_23] : memref<1600xi32, #tpu.memory_space<vmem>> -> memref<400xi32, #tpu.memory_space<vmem>>
    %dma_start3A_25 = arith.constant 0 : i32
    %dma_start3A_26 = arith.constant 0 : i32
    %dma_start3A_27 = tpu.memref_slice %arg3[%dma_start3A_25, %dma_start3A_26] : memref<1000008x128xf32, #tpu.memory_space<hbm>> -> memref<1000008x128xf32, #tpu.memory_space<hbm>>
    tpu.enqueue_indirect_dma source(%dma_start3A_27 : memref<1000008x128xf32, #tpu.memory_space<hbm>>) target(%arg7 : memref<400x128xf32, #tpu.memory_space<vmem>>) offsets(%dma_start3A_24 : memref<400xi32, #tpu.memory_space<vmem>>) semaphore(%arg8 : memref<!tpu.dma_semaphore, #tpu.memory_space<semaphore_mem>>)
    %dma_wait3A_28 = arith.constant 400 : i32
    %dma_wait3A_29 = tpu.memref_slice %arg5[%dma_wait3A_28] : memref<1600xi32, #tpu.memory_space<vmem>> -> memref<400xi32, #tpu.memory_space<vmem>>
    %dma_wait3A_30 = arith.constant 0 : i32
    %dma_wait3A_31 = arith.constant 0 : i32
    %dma_wait3A_32 = tpu.memref_slice %arg3[%dma_wait3A_30, %dma_wait3A_31] : memref<1000008x128xf32, #tpu.memory_space<hbm>> -> memref<1000008x128xf32, #tpu.memory_space<hbm>>
    tpu.wait_indirect_dma semaphore(%arg8 : memref<!tpu.dma_semaphore, #tpu.memory_space<semaphore_mem>>) src(%dma_wait3A_32 : memref<1000008x128xf32, #tpu.memory_space<hbm>>) dst(%arg7 : memref<400x128xf32, #tpu.memory_space<vmem>>)
    %add3A_33 = arith.constant 400 : i32
    %add3A_34 = arith.addi %mul3A_2, %add3A_33 : i32
    %dma_start3A_35 = arith.constant 0 : i32
    %dma_start3A_36 = arith.constant 0 : i32
    %dma_start3A_37 = tpu.memref_slice %arg7[%dma_start3A_35, %dma_start3A_36] : memref<400x128xf32, #tpu.memory_space<vmem>> -> memref<400x64xf32, #tpu.memory_space<vmem>>
    %dma_start3A_38 = arith.constant 0 : i32
    %dma_start3A_39 = tpu.memref_slice %arg4[%add3A_34, %dma_start3A_38] : memref<51200x64xf32, #tpu.memory_space<hbm>> -> memref<400x64xf32, #tpu.memory_space<hbm>>
    %dma_start3A_40 = arith.constant 0 : i32
    %dma_start3A_41 = tpu.memref_slice %arg4[%add3A_34, %dma_start3A_40] : memref<51200x64xf32, #tpu.memory_space<hbm>> -> memref<400x64xf32, #tpu.memory_space<hbm>>
    %dma_start3A_42 = arith.constant 0 : i32
    %dma_start3A_43 = arith.constant 0 : i32
    %dma_start3A_44 = tpu.memref_slice %arg7[%dma_start3A_42, %dma_start3A_43] : memref<400x128xf32, #tpu.memory_space<vmem>> -> memref<400x64xf32, #tpu.memory_space<vmem>>
    tpu.enqueue_dma source(%dma_start3A_44 : memref<400x64xf32, #tpu.memory_space<vmem>>) target(%dma_start3A_41 : memref<400x64xf32, #tpu.memory_space<hbm>>) target_semaphore(%arg9 : memref<!tpu.dma_semaphore, #tpu.memory_space<semaphore_mem>>)
    %dma_wait3A_45 = arith.constant 0 : i32
    %dma_wait3A_46 = arith.constant 0 : i32
    %dma_wait3A_47 = tpu.memref_slice %arg6[%dma_wait3A_45, %dma_wait3A_46] : memref<400x128xf32, #tpu.memory_space<vmem>> -> memref<400x64xf32, #tpu.memory_space<vmem>>
    %dma_wait3A_48 = arith.constant 0 : i32
    %dma_wait3A_49 = tpu.memref_slice %arg4[%add3A_12, %dma_wait3A_48] : memref<51200x64xf32, #tpu.memory_space<hbm>> -> memref<400x64xf32, #tpu.memory_space<hbm>>
    %dma_wait3A_50 = arith.constant 0 : i32
    %dma_wait3A_51 = tpu.memref_slice %arg4[%add3A_12, %dma_wait3A_50] : memref<51200x64xf32, #tpu.memory_space<hbm>> -> memref<400x64xf32, #tpu.memory_space<hbm>>
    %dma_wait3A_52 = arith.constant 0 : i32
    %dma_wait3A_53 = arith.constant 0 : i32
    %dma_wait3A_54 = tpu.memref_slice %arg6[%dma_wait3A_52, %dma_wait3A_53] : memref<400x128xf32, #tpu.memory_space<vmem>> -> memref<400x64xf32, #tpu.memory_space<vmem>>
    tpu.wait_dma2 semaphore(%arg9 : memref<!tpu.dma_semaphore, #tpu.memory_space<semaphore_mem>>) src(%dma_wait3A_54 : memref<400x64xf32, #tpu.memory_space<vmem>>) dst(%dma_wait3A_51 : memref<400x64xf32, #tpu.memory_space<hbm>>)
    %dma_start3A_55 = arith.constant 800 : i32
    %dma_start3A_56 = tpu.memref_slice %arg5[%dma_start3A_55] : memref<1600xi32, #tpu.memory_space<vmem>> -> memref<400xi32, #tpu.memory_space<vmem>>
    %dma_start3A_57 = arith.constant 0 : i32
    %dma_start3A_58 = arith.constant 0 : i32
    %dma_start3A_59 = tpu.memref_slice %arg3[%dma_start3A_57, %dma_start3A_58] : memref<1000008x128xf32, #tpu.memory_space<hbm>> -> memref<1000008x128xf32, #tpu.memory_space<hbm>>
    tpu.enqueue_indirect_dma source(%dma_start3A_59 : memref<1000008x128xf32, #tpu.memory_space<hbm>>) target(%arg6 : memref<400x128xf32, #tpu.memory_space<vmem>>) offsets(%dma_start3A_56 : memref<400xi32, #tpu.memory_space<vmem>>) semaphore(%arg8 : memref<!tpu.dma_semaphore, #tpu.memory_space<semaphore_mem>>)
    %dma_wait3A_60 = arith.constant 800 : i32
    %dma_wait3A_61 = tpu.memref_slice %arg5[%dma_wait3A_60] : memref<1600xi32, #tpu.memory_space<vmem>> -> memref<400xi32, #tpu.memory_space<vmem>>
    %dma_wait3A_62 = arith.constant 0 : i32
    %dma_wait3A_63 = arith.constant 0 : i32
    %dma_wait3A_64 = tpu.memref_slice %arg3[%dma_wait3A_62, %dma_wait3A_63] : memref<1000008x128xf32, #tpu.memory_space<hbm>> -> memref<1000008x128xf32, #tpu.memory_space<hbm>>
    tpu.wait_indirect_dma semaphore(%arg8 : memref<!tpu.dma_semaphore, #tpu.memory_space<semaphore_mem>>) src(%dma_wait3A_64 : memref<1000008x128xf32, #tpu.memory_space<hbm>>) dst(%arg6 : memref<400x128xf32, #tpu.memory_space<vmem>>)
    %add3A_65 = arith.constant 800 : i32
    %add3A_66 = arith.addi %mul3A_2, %add3A_65 : i32
    %dma_start3A_67 = arith.constant 0 : i32
    %dma_start3A_68 = arith.constant 0 : i32
    %dma_start3A_69 = tpu.memref_slice %arg6[%dma_start3A_67, %dma_start3A_68] : memref<400x128xf32, #tpu.memory_space<vmem>> -> memref<400x64xf32, #tpu.memory_space<vmem>>
    %dma_start3A_70 = arith.constant 0 : i32
    %dma_start3A_71 = tpu.memref_slice %arg4[%add3A_66, %dma_start3A_70] : memref<51200x64xf32, #tpu.memory_space<hbm>> -> memref<400x64xf32, #tpu.memory_space<hbm>>
    %dma_start3A_72 = arith.constant 0 : i32
    %dma_start3A_73 = tpu.memref_slice %arg4[%add3A_66, %dma_start3A_72] : memref<51200x64xf32, #tpu.memory_space<hbm>> -> memref<400x64xf32, #tpu.memory_space<hbm>>
    %dma_start3A_74 = arith.constant 0 : i32
    %dma_start3A_75 = arith.constant 0 : i32
    %dma_start3A_76 = tpu.memref_slice %arg6[%dma_start3A_74, %dma_start3A_75] : memref<400x128xf32, #tpu.memory_space<vmem>> -> memref<400x64xf32, #tpu.memory_space<vmem>>
    tpu.enqueue_dma source(%dma_start3A_76 : memref<400x64xf32, #tpu.memory_space<vmem>>) target(%dma_start3A_73 : memref<400x64xf32, #tpu.memory_space<hbm>>) target_semaphore(%arg9 : memref<!tpu.dma_semaphore, #tpu.memory_space<semaphore_mem>>)
    %dma_wait3A_77 = arith.constant 0 : i32
    %dma_wait3A_78 = arith.constant 0 : i32
    %dma_wait3A_79 = tpu.memref_slice %arg7[%dma_wait3A_77, %dma_wait3A_78] : memref<400x128xf32, #tpu.memory_space<vmem>> -> memref<400x64xf32, #tpu.memory_space<vmem>>
    %dma_wait3A_80 = arith.constant 0 : i32
    %dma_wait3A_81 = tpu.memref_slice %arg4[%add3A_34, %dma_wait3A_80] : memref<51200x64xf32, #tpu.memory_space<hbm>> -> memref<400x64xf32, #tpu.memory_space<hbm>>
    %dma_wait3A_82 = arith.constant 0 : i32
    %dma_wait3A_83 = tpu.memref_slice %arg4[%add3A_34, %dma_wait3A_82] : memref<51200x64xf32, #tpu.memory_space<hbm>> -> memref<400x64xf32, #tpu.memory_space<hbm>>
    %dma_wait3A_84 = arith.constant 0 : i32
    %dma_wait3A_85 = arith.constant 0 : i32
    %dma_wait3A_86 = tpu.memref_slice %arg7[%dma_wait3A_84, %dma_wait3A_85] : memref<400x128xf32, #tpu.memory_space<vmem>> -> memref<400x64xf32, #tpu.memory_space<vmem>>
    tpu.wait_dma2 semaphore(%arg9 : memref<!tpu.dma_semaphore, #tpu.memory_space<semaphore_mem>>) src(%dma_wait3A_86 : memref<400x64xf32, #tpu.memory_space<vmem>>) dst(%dma_wait3A_83 : memref<400x64xf32, #tpu.memory_space<hbm>>)
    %dma_start3A_87 = arith.constant 1200 : i32
    %dma_start3A_88 = tpu.memref_slice %arg5[%dma_start3A_87] : memref<1600xi32, #tpu.memory_space<vmem>> -> memref<400xi32, #tpu.memory_space<vmem>>
    %dma_start3A_89 = arith.constant 0 : i32
    %dma_start3A_90 = arith.constant 0 : i32
    %dma_start3A_91 = tpu.memref_slice %arg3[%dma_start3A_89, %dma_start3A_90] : memref<1000008x128xf32, #tpu.memory_space<hbm>> -> memref<1000008x128xf32, #tpu.memory_space<hbm>>
    tpu.enqueue_indirect_dma source(%dma_start3A_91 : memref<1000008x128xf32, #tpu.memory_space<hbm>>) target(%arg7 : memref<400x128xf32, #tpu.memory_space<vmem>>) offsets(%dma_start3A_88 : memref<400xi32, #tpu.memory_space<vmem>>) semaphore(%arg8 : memref<!tpu.dma_semaphore, #tpu.memory_space<semaphore_mem>>)
    %dma_wait3A_92 = arith.constant 1200 : i32
    %dma_wait3A_93 = tpu.memref_slice %arg5[%dma_wait3A_92] : memref<1600xi32, #tpu.memory_space<vmem>> -> memref<400xi32, #tpu.memory_space<vmem>>
    %dma_wait3A_94 = arith.constant 0 : i32
    %dma_wait3A_95 = arith.constant 0 : i32
    %dma_wait3A_96 = tpu.memref_slice %arg3[%dma_wait3A_94, %dma_wait3A_95] : memref<1000008x128xf32, #tpu.memory_space<hbm>> -> memref<1000008x128xf32, #tpu.memory_space<hbm>>
    tpu.wait_indirect_dma semaphore(%arg8 : memref<!tpu.dma_semaphore, #tpu.memory_space<semaphore_mem>>) src(%dma_wait3A_96 : memref<1000008x128xf32, #tpu.memory_space<hbm>>) dst(%arg7 : memref<400x128xf32, #tpu.memory_space<vmem>>)
    %add3A_97 = arith.constant 1200 : i32
    %add3A_98 = arith.addi %mul3A_2, %add3A_97 : i32
    %dma_start3A_99 = arith.constant 0 : i32
    %dma_start3A_100 = arith.constant 0 : i32
    %dma_start3A_101 = tpu.memref_slice %arg7[%dma_start3A_99, %dma_start3A_100] : memref<400x128xf32, #tpu.memory_space<vmem>> -> memref<400x64xf32, #tpu.memory_space<vmem>>
    %dma_start3A_102 = arith.constant 0 : i32
    %dma_start3A_103 = tpu.memref_slice %arg4[%add3A_98, %dma_start3A_102] : memref<51200x64xf32, #tpu.memory_space<hbm>> -> memref<400x64xf32, #tpu.memory_space<hbm>>
    %dma_start3A_104 = arith.constant 0 : i32
    %dma_start3A_105 = tpu.memref_slice %arg4[%add3A_98, %dma_start3A_104] : memref<51200x64xf32, #tpu.memory_space<hbm>> -> memref<400x64xf32, #tpu.memory_space<hbm>>
    %dma_start3A_106 = arith.constant 0 : i32
    %dma_start3A_107 = arith.constant 0 : i32
    %dma_start3A_108 = tpu.memref_slice %arg7[%dma_start3A_106, %dma_start3A_107] : memref<400x128xf32, #tpu.memory_space<vmem>> -> memref<400x64xf32, #tpu.memory_space<vmem>>
    tpu.enqueue_dma source(%dma_start3A_108 : memref<400x64xf32, #tpu.memory_space<vmem>>) target(%dma_start3A_105 : memref<400x64xf32, #tpu.memory_space<hbm>>) target_semaphore(%arg9 : memref<!tpu.dma_semaphore, #tpu.memory_space<semaphore_mem>>)
    %dma_wait3A_109 = arith.constant 0 : i32
    %dma_wait3A_110 = arith.constant 0 : i32
    %dma_wait3A_111 = tpu.memref_slice %arg6[%dma_wait3A_109, %dma_wait3A_110] : memref<400x128xf32, #tpu.memory_space<vmem>> -> memref<400x64xf32, #tpu.memory_space<vmem>>
    %dma_wait3A_112 = arith.constant 0 : i32
    %dma_wait3A_113 = tpu.memref_slice %arg4[%add3A_66, %dma_wait3A_112] : memref<51200x64xf32, #tpu.memory_space<hbm>> -> memref<400x64xf32, #tpu.memory_space<hbm>>
    %dma_wait3A_114 = arith.constant 0 : i32
    %dma_wait3A_115 = tpu.memref_slice %arg4[%add3A_66, %dma_wait3A_114] : memref<51200x64xf32, #tpu.memory_space<hbm>> -> memref<400x64xf32, #tpu.memory_space<hbm>>
    %dma_wait3A_116 = arith.constant 0 : i32
    %dma_wait3A_117 = arith.constant 0 : i32
    %dma_wait3A_118 = tpu.memref_slice %arg6[%dma_wait3A_116, %dma_wait3A_117] : memref<400x128xf32, #tpu.memory_space<vmem>> -> memref<400x64xf32, #tpu.memory_space<vmem>>
    tpu.wait_dma2 semaphore(%arg9 : memref<!tpu.dma_semaphore, #tpu.memory_space<semaphore_mem>>) src(%dma_wait3A_118 : memref<400x64xf32, #tpu.memory_space<vmem>>) dst(%dma_wait3A_115 : memref<400x64xf32, #tpu.memory_space<hbm>>)
    %dma_wait3A_119 = arith.constant 0 : i32
    %dma_wait3A_120 = arith.constant 0 : i32
    %dma_wait3A_121 = tpu.memref_slice %arg7[%dma_wait3A_119, %dma_wait3A_120] : memref<400x128xf32, #tpu.memory_space<vmem>> -> memref<400x64xf32, #tpu.memory_space<vmem>>
    %dma_wait3A_122 = arith.constant 0 : i32
    %dma_wait3A_123 = tpu.memref_slice %arg4[%add3A_98, %dma_wait3A_122] : memref<51200x64xf32, #tpu.memory_space<hbm>> -> memref<400x64xf32, #tpu.memory_space<hbm>>
    %dma_wait3A_124 = arith.constant 0 : i32
    %dma_wait3A_125 = tpu.memref_slice %arg4[%add3A_98, %dma_wait3A_124] : memref<51200x64xf32, #tpu.memory_space<hbm>> -> memref<400x64xf32, #tpu.memory_space<hbm>>
    %dma_wait3A_126 = arith.constant 0 : i32
    %dma_wait3A_127 = arith.constant 0 : i32
    %dma_wait3A_128 = tpu.memref_slice %arg7[%dma_wait3A_126, %dma_wait3A_127] : memref<400x128xf32, #tpu.memory_space<vmem>> -> memref<400x64xf32, #tpu.memory_space<vmem>>
    tpu.wait_dma2 semaphore(%arg9 : memref<!tpu.dma_semaphore, #tpu.memory_space<semaphore_mem>>) src(%dma_wait3A_128 : memref<400x64xf32, #tpu.memory_space<vmem>>) dst(%dma_wait3A_125 : memref<400x64xf32, #tpu.memory_space<hbm>>)
    return
  }
}

module attributes {stable_mosaic.version = 14 : i64} {
  func.func @_small_lookup_tc_body(%arg0: i32, %arg1: memref<50x1024xi32, #tpu.memory_space<vmem>>, %arg2: memref<50x1024xi32, #tpu.memory_space<vmem>>, %arg3: memref<50x1024xi32, #tpu.memory_space<vmem>>, %arg4: memref<50x1024xi32, #tpu.memory_space<vmem>>, %arg5: memref<50x1024xi32, #tpu.memory_space<vmem>>, %arg6: memref<50x1024xi32, #tpu.memory_space<vmem>>, %arg7: memref<25x64xf32, #tpu.memory_space<vmem>>, %arg8: memref<61x64xf32, #tpu.memory_space<vmem>>, %arg9: memref<61x64xf32, #tpu.memory_space<vmem>>, %arg10: memref<25x64xf32, #tpu.memory_space<vmem>>, %arg11: memref<61x64xf32, #tpu.memory_space<vmem>>, %arg12: memref<61x64xf32, #tpu.memory_space<vmem>>, %arg13: memref<5x64x1024xf32, #tpu.memory_space<vmem>>, %arg14: memref<5x64x1024xf32, #tpu.memory_space<vmem>>, %arg15: memref<5x64x1024xf32, #tpu.memory_space<vmem>>, %arg16: memref<5x64x1024xf32, #tpu.memory_space<vmem>>, %arg17: memref<5x64x1024xf32, #tpu.memory_space<vmem>>, %arg18: memref<5x64x1024xf32, #tpu.memory_space<vmem>>) attributes {dimension_semantics = [#tpu.dimension_semantics<arbitrary>], iteration_bounds = array<i64: 10>, scalar_prefetch = 0 : i64, scratch_operands = 0 : i64, tpu.core_type = #tpu.core_type<tc>, window_params = [{pipeline_mode = #tpu.pipeline_mode<synchronous>, transform_indices = @transform_0, window_bounds = array<i64: 50, 1024>}, {pipeline_mode = #tpu.pipeline_mode<synchronous>, transform_indices = @transform_1, window_bounds = array<i64: 50, 1024>}, {pipeline_mode = #tpu.pipeline_mode<synchronous>, transform_indices = @transform_2, window_bounds = array<i64: 50, 1024>}, {pipeline_mode = #tpu.pipeline_mode<synchronous>, transform_indices = @transform_3, window_bounds = array<i64: 50, 1024>}, {pipeline_mode = #tpu.pipeline_mode<synchronous>, transform_indices = @transform_4, window_bounds = array<i64: 50, 1024>}, {pipeline_mode = #tpu.pipeline_mode<synchronous>, transform_indices = @transform_5, window_bounds = array<i64: 50, 1024>}, {pipeline_mode = #tpu.pipeline_mode<synchronous>, transform_indices = @transform_6, window_bounds = array<i64: 25, 64>}, {pipeline_mode = #tpu.pipeline_mode<synchronous>, transform_indices = @transform_7, window_bounds = array<i64: 61, 64>}, {pipeline_mode = #tpu.pipeline_mode<synchronous>, transform_indices = @transform_8, window_bounds = array<i64: 61, 64>}, {pipeline_mode = #tpu.pipeline_mode<synchronous>, transform_indices = @transform_9, window_bounds = array<i64: 25, 64>}, {pipeline_mode = #tpu.pipeline_mode<synchronous>, transform_indices = @transform_10, window_bounds = array<i64: 61, 64>}, {pipeline_mode = #tpu.pipeline_mode<synchronous>, transform_indices = @transform_11, window_bounds = array<i64: 61, 64>}, {transform_indices = @transform_12, window_bounds = array<i64: 5, 64, 1024>}, {transform_indices = @transform_13, window_bounds = array<i64: 5, 64, 1024>}, {transform_indices = @transform_14, window_bounds = array<i64: 5, 64, 1024>}, {transform_indices = @transform_15, window_bounds = array<i64: 5, 64, 1024>}, {transform_indices = @transform_16, window_bounds = array<i64: 5, 64, 1024>}, {transform_indices = @transform_17, window_bounds = array<i64: 5, 64, 1024>}]} {
    %mul3A = arith.constant 5 : i32
    %mul3A_0 = arith.muli %arg0, %mul3A : i32
    %get3A = arith.constant 0 : index
    %get3A_1 = arith.constant 0 : index
    %get3A_2 = vector.load %arg7[%get3A, %get3A_1] : memref<25x64xf32, #tpu.memory_space<vmem>>, vector<25x64xf32>
    %iota3A = tpu.iota {dimensions = array<i32: 0>} : vector<25x1024xi32>
    %add3A = arith.constant 0 : i32
    %add3A_3 = arith.addi %mul3A_0, %add3A : i32
    %get3A_4 = arith.index_cast %add3A_3 : i32 to index
    %get3A_5 = arith.constant 0 : index
    %get3A_6 = vector.load %arg1[%get3A_4, %get3A_5] : memref<50x1024xi32, #tpu.memory_space<vmem>>, vector<1x1024xi32>
    %get3A_7 = vector.shape_cast %get3A_6 : vector<1x1024xi32> to vector<1024xi32>
    %broadcast_in_dim3A = vector.shape_cast %get3A_7 : vector<1024xi32> to vector<1x1024xi32>
    %eq3A = vector.broadcast %broadcast_in_dim3A : vector<1x1024xi32> to vector<25x1024xi32>
    %eq3A_8 = arith.cmpi eq, %iota3A, %eq3A : vector<25x1024xi32>
    %jit3A = arith.constant 1.000000e+00 : f32
    %jit3A_9 = arith.constant 0.000000e+00 : f32
    %broadcast_in_dim3A_10 = vector.broadcast %jit3A : f32 to vector<25x1024xf32>
    %broadcast_in_dim3A_11 = vector.broadcast %jit3A_9 : f32 to vector<25x1024xf32>
    %select_n3A = arith.select %eq3A_8, %broadcast_in_dim3A_10, %broadcast_in_dim3A_11 : vector<25x1024xi1>, vector<25x1024xf32>
    %dot_general3A = arith.constant dense<0.000000e+00> : vector<64x1024xf32>
    %dot_general3A_12 = tpu.matmul %get3A_2, %select_n3A, %dot_general3A {dimension_numbers = #tpu.dot_dimension_numbers<[0], [0], [1], [1], [0, 1, 1, 1], [], []>, precision = #tpu.contract_precision<fp32>, transpose_lhs_hint = false} : vector<25x64xf32>, vector<25x1024xf32>, vector<64x1024xf32> -> vector<64x1024xf32>
    %swap3A = arith.constant 0 : index
    %swap3A_13 = arith.constant 0 : index
    %swap3A_14 = arith.constant 0 : index
    %swap3A_15 = vector.load %arg13[%swap3A, %swap3A_13, %swap3A_14] : memref<5x64x1024xf32, #tpu.memory_space<vmem>>, vector<1x64x1024xf32>
    %swap3A_16 = vector.shape_cast %swap3A_15 : vector<1x64x1024xf32> to vector<64x1024xf32>
    %swap3A_17 = vector.shape_cast %dot_general3A_12 : vector<64x1024xf32> to vector<1x64x1024xf32>
    tpu.vector_store %arg13[%swap3A, %swap3A_13, %swap3A_14], %swap3A_17 {strides = array<i32>} : memref<5x64x1024xf32, #tpu.memory_space<vmem>>, vector<1x64x1024xf32>,
    %add3A_18 = arith.constant 1 : i32
    %add3A_19 = arith.addi %mul3A_0, %add3A_18 : i32
    %get3A_20 = arith.index_cast %add3A_19 : i32 to index
    %get3A_21 = arith.constant 0 : index
    %get3A_22 = vector.load %arg1[%get3A_20, %get3A_21] : memref<50x1024xi32, #tpu.memory_space<vmem>>, vector<1x1024xi32>
    %get3A_23 = vector.shape_cast %get3A_22 : vector<1x1024xi32> to vector<1024xi32>
    %broadcast_in_dim3A_24 = vector.shape_cast %get3A_23 : vector<1024xi32> to vector<1x1024xi32>
    %eq3A_25 = vector.broadcast %broadcast_in_dim3A_24 : vector<1x1024xi32> to vector<25x1024xi32>
    %eq3A_26 = arith.cmpi eq, %iota3A, %eq3A_25 : vector<25x1024xi32>
    %jit3A_27 = arith.constant 1.000000e+00 : f32
    %jit3A_28 = arith.constant 0.000000e+00 : f32
    %broadcast_in_dim3A_29 = vector.broadcast %jit3A_27 : f32 to vector<25x1024xf32>
    %broadcast_in_dim3A_30 = vector.broadcast %jit3A_28 : f32 to vector<25x1024xf32>
    %select_n3A_31 = arith.select %eq3A_26, %broadcast_in_dim3A_29, %broadcast_in_dim3A_30 : vector<25x1024xi1>, vector<25x1024xf32>
    %dot_general3A_32 = arith.constant dense<0.000000e+00> : vector<64x1024xf32>
    %dot_general3A_33 = tpu.matmul %get3A_2, %select_n3A_31, %dot_general3A_32 {dimension_numbers = #tpu.dot_dimension_numbers<[0], [0], [1], [1], [0, 1, 1, 1], [], []>, precision = #tpu.contract_precision<fp32>, transpose_lhs_hint = false} : vector<25x64xf32>, vector<25x1024xf32>, vector<64x1024xf32> -> vector<64x1024xf32>
    %swap3A_34 = arith.constant 1 : index
    %swap3A_35 = arith.constant 0 : index
    %swap3A_36 = arith.constant 0 : index
    %swap3A_37 = vector.load %arg13[%swap3A_34, %swap3A_35, %swap3A_36] : memref<5x64x1024xf32, #tpu.memory_space<vmem>>, vector<1x64x1024xf32>
    %swap3A_38 = vector.shape_cast %swap3A_37 : vector<1x64x1024xf32> to vector<64x1024xf32>
    %swap3A_39 = vector.shape_cast %dot_general3A_33 : vector<64x1024xf32> to vector<1x64x1024xf32>
    tpu.vector_store %arg13[%swap3A_34, %swap3A_35, %swap3A_36], %swap3A_39 {strides = array<i32>} : memref<5x64x1024xf32, #tpu.memory_space<vmem>>, vector<1x64x1024xf32>,
    %add3A_40 = arith.constant 2 : i32
    %add3A_41 = arith.addi %mul3A_0, %add3A_40 : i32
    %get3A_42 = arith.index_cast %add3A_41 : i32 to index
    %get3A_43 = arith.constant 0 : index
    %get3A_44 = vector.load %arg1[%get3A_42, %get3A_43] : memref<50x1024xi32, #tpu.memory_space<vmem>>, vector<1x1024xi32>
    %get3A_45 = vector.shape_cast %get3A_44 : vector<1x1024xi32> to vector<1024xi32>
    %broadcast_in_dim3A_46 = vector.shape_cast %get3A_45 : vector<1024xi32> to vector<1x1024xi32>
    %eq3A_47 = vector.broadcast %broadcast_in_dim3A_46 : vector<1x1024xi32> to vector<25x1024xi32>
    %eq3A_48 = arith.cmpi eq, %iota3A, %eq3A_47 : vector<25x1024xi32>
    %jit3A_49 = arith.constant 1.000000e+00 : f32
    %jit3A_50 = arith.constant 0.000000e+00 : f32
    %broadcast_in_dim3A_51 = vector.broadcast %jit3A_49 : f32 to vector<25x1024xf32>
    %broadcast_in_dim3A_52 = vector.broadcast %jit3A_50 : f32 to vector<25x1024xf32>
    %select_n3A_53 = arith.select %eq3A_48, %broadcast_in_dim3A_51, %broadcast_in_dim3A_52 : vector<25x1024xi1>, vector<25x1024xf32>
    %dot_general3A_54 = arith.constant dense<0.000000e+00> : vector<64x1024xf32>
    %dot_general3A_55 = tpu.matmul %get3A_2, %select_n3A_53, %dot_general3A_54 {dimension_numbers = #tpu.dot_dimension_numbers<[0], [0], [1], [1], [0, 1, 1, 1], [], []>, precision = #tpu.contract_precision<fp32>, transpose_lhs_hint = false} : vector<25x64xf32>, vector<25x1024xf32>, vector<64x1024xf32> -> vector<64x1024xf32>
    %swap3A_56 = arith.constant 2 : index
    %swap3A_57 = arith.constant 0 : index
    %swap3A_58 = arith.constant 0 : index
    %swap3A_59 = vector.load %arg13[%swap3A_56, %swap3A_57, %swap3A_58] : memref<5x64x1024xf32, #tpu.memory_space<vmem>>, vector<1x64x1024xf32>
    %swap3A_60 = vector.shape_cast %swap3A_59 : vector<1x64x1024xf32> to vector<64x1024xf32>
    %swap3A_61 = vector.shape_cast %dot_general3A_55 : vector<64x1024xf32> to vector<1x64x1024xf32>
    tpu.vector_store %arg13[%swap3A_56, %swap3A_57, %swap3A_58], %swap3A_61 {strides = array<i32>} : memref<5x64x1024xf32, #tpu.memory_space<vmem>>, vector<1x64x1024xf32>,
    %add3A_62 = arith.constant 3 : i32
    %add3A_63 = arith.addi %mul3A_0, %add3A_62 : i32
    %get3A_64 = arith.index_cast %add3A_63 : i32 to index
    %get3A_65 = arith.constant 0 : index
    %get3A_66 = vector.load %arg1[%get3A_64, %get3A_65] : memref<50x1024xi32, #tpu.memory_space<vmem>>, vector<1x1024xi32>
    %get3A_67 = vector.shape_cast %get3A_66 : vector<1x1024xi32> to vector<1024xi32>
    %broadcast_in_dim3A_68 = vector.shape_cast %get3A_67 : vector<1024xi32> to vector<1x1024xi32>
    %eq3A_69 = vector.broadcast %broadcast_in_dim3A_68 : vector<1x1024xi32> to vector<25x1024xi32>
    %eq3A_70 = arith.cmpi eq, %iota3A, %eq3A_69 : vector<25x1024xi32>
    %jit3A_71 = arith.constant 1.000000e+00 : f32
    %jit3A_72 = arith.constant 0.000000e+00 : f32
    %broadcast_in_dim3A_73 = vector.broadcast %jit3A_71 : f32 to vector<25x1024xf32>
    %broadcast_in_dim3A_74 = vector.broadcast %jit3A_72 : f32 to vector<25x1024xf32>
    %select_n3A_75 = arith.select %eq3A_70, %broadcast_in_dim3A_73, %broadcast_in_dim3A_74 : vector<25x1024xi1>, vector<25x1024xf32>
    %dot_general3A_76 = arith.constant dense<0.000000e+00> : vector<64x1024xf32>
    %dot_general3A_77 = tpu.matmul %get3A_2, %select_n3A_75, %dot_general3A_76 {dimension_numbers = #tpu.dot_dimension_numbers<[0], [0], [1], [1], [0, 1, 1, 1], [], []>, precision = #tpu.contract_precision<fp32>, transpose_lhs_hint = false} : vector<25x64xf32>, vector<25x1024xf32>, vector<64x1024xf32> -> vector<64x1024xf32>
    %swap3A_78 = arith.constant 3 : index
    %swap3A_79 = arith.constant 0 : index
    %swap3A_80 = arith.constant 0 : index
    %swap3A_81 = vector.load %arg13[%swap3A_78, %swap3A_79, %swap3A_80] : memref<5x64x1024xf32, #tpu.memory_space<vmem>>, vector<1x64x1024xf32>
    %swap3A_82 = vector.shape_cast %swap3A_81 : vector<1x64x1024xf32> to vector<64x1024xf32>
    %swap3A_83 = vector.shape_cast %dot_general3A_77 : vector<64x1024xf32> to vector<1x64x1024xf32>
    tpu.vector_store %arg13[%swap3A_78, %swap3A_79, %swap3A_80], %swap3A_83 {strides = array<i32>} : memref<5x64x1024xf32, #tpu.memory_space<vmem>>, vector<1x64x1024xf32>,
    %add3A_84 = arith.constant 4 : i32
    %add3A_85 = arith.addi %mul3A_0, %add3A_84 : i32
    %get3A_86 = arith.index_cast %add3A_85 : i32 to index
    %get3A_87 = arith.constant 0 : index
    %get3A_88 = vector.load %arg1[%get3A_86, %get3A_87] : memref<50x1024xi32, #tpu.memory_space<vmem>>, vector<1x1024xi32>
    %get3A_89 = vector.shape_cast %get3A_88 : vector<1x1024xi32> to vector<1024xi32>
    %broadcast_in_dim3A_90 = vector.shape_cast %get3A_89 : vector<1024xi32> to vector<1x1024xi32>
    %eq3A_91 = vector.broadcast %broadcast_in_dim3A_90 : vector<1x1024xi32> to vector<25x1024xi32>
    %eq3A_92 = arith.cmpi eq, %iota3A, %eq3A_91 : vector<25x1024xi32>
    %jit3A_93 = arith.constant 1.000000e+00 : f32
    %jit3A_94 = arith.constant 0.000000e+00 : f32
    %broadcast_in_dim3A_95 = vector.broadcast %jit3A_93 : f32 to vector<25x1024xf32>
    %broadcast_in_dim3A_96 = vector.broadcast %jit3A_94 : f32 to vector<25x1024xf32>
    %select_n3A_97 = arith.select %eq3A_92, %broadcast_in_dim3A_95, %broadcast_in_dim3A_96 : vector<25x1024xi1>, vector<25x1024xf32>
    %dot_general3A_98 = arith.constant dense<0.000000e+00> : vector<64x1024xf32>
    %dot_general3A_99 = tpu.matmul %get3A_2, %select_n3A_97, %dot_general3A_98 {dimension_numbers = #tpu.dot_dimension_numbers<[0], [0], [1], [1], [0, 1, 1, 1], [], []>, precision = #tpu.contract_precision<fp32>, transpose_lhs_hint = false} : vector<25x64xf32>, vector<25x1024xf32>, vector<64x1024xf32> -> vector<64x1024xf32>
    %swap3A_100 = arith.constant 4 : index
    %swap3A_101 = arith.constant 0 : index
    %swap3A_102 = arith.constant 0 : index
    %swap3A_103 = vector.load %arg13[%swap3A_100, %swap3A_101, %swap3A_102] : memref<5x64x1024xf32, #tpu.memory_space<vmem>>, vector<1x64x1024xf32>
    %swap3A_104 = vector.shape_cast %swap3A_103 : vector<1x64x1024xf32> to vector<64x1024xf32>
    %swap3A_105 = vector.shape_cast %dot_general3A_99 : vector<64x1024xf32> to vector<1x64x1024xf32>
    tpu.vector_store %arg13[%swap3A_100, %swap3A_101, %swap3A_102], %swap3A_105 {strides = array<i32>} : memref<5x64x1024xf32, #tpu.memory_space<vmem>>, vector<1x64x1024xf32>,
    %get3A_106 = arith.constant 0 : index
    %get3A_107 = arith.constant 0 : index
    %get3A_108 = vector.load %arg8[%get3A_106, %get3A_107] : memref<61x64xf32, #tpu.memory_space<vmem>>, vector<61x64xf32>
    %iota3A_109 = tpu.iota {dimensions = array<i32: 0>} : vector<61x1024xi32>
    %add3A_110 = arith.constant 0 : i32
    %add3A_111 = arith.addi %mul3A_0, %add3A_110 : i32
    %get3A_112 = arith.index_cast %add3A_111 : i32 to index
    %get3A_113 = arith.constant 0 : index
    %get3A_114 = vector.load %arg2[%get3A_112, %get3A_113] : memref<50x1024xi32, #tpu.memory_space<vmem>>, vector<1x1024xi32>
    %get3A_115 = vector.shape_cast %get3A_114 : vector<1x1024xi32> to vector<1024xi32>
    %broadcast_in_dim3A_116 = vector.shape_cast %get3A_115 : vector<1024xi32> to vector<1x1024xi32>
    %eq3A_117 = vector.broadcast %broadcast_in_dim3A_116 : vector<1x1024xi32> to vector<61x1024xi32>
    %eq3A_118 = arith.cmpi eq, %iota3A_109, %eq3A_117 : vector<61x1024xi32>
    %jit3A_119 = arith.constant 1.000000e+00 : f32
    %jit3A_120 = arith.constant 0.000000e+00 : f32
    %broadcast_in_dim3A_121 = vector.broadcast %jit3A_119 : f32 to vector<61x1024xf32>
    %broadcast_in_dim3A_122 = vector.broadcast %jit3A_120 : f32 to vector<61x1024xf32>
    %select_n3A_123 = arith.select %eq3A_118, %broadcast_in_dim3A_121, %broadcast_in_dim3A_122 : vector<61x1024xi1>, vector<61x1024xf32>
    %dot_general3A_124 = arith.constant dense<0.000000e+00> : vector<64x1024xf32>
    %dot_general3A_125 = tpu.matmul %get3A_108, %select_n3A_123, %dot_general3A_124 {dimension_numbers = #tpu.dot_dimension_numbers<[0], [0], [1], [1], [0, 1, 1, 1], [], []>, precision = #tpu.contract_precision<fp32>, transpose_lhs_hint = false} : vector<61x64xf32>, vector<61x1024xf32>, vector<64x1024xf32> -> vector<64x1024xf32>
    %swap3A_126 = arith.constant 0 : index
    %swap3A_127 = arith.constant 0 : index
    %swap3A_128 = arith.constant 0 : index
    %swap3A_129 = vector.load %arg14[%swap3A_126, %swap3A_127, %swap3A_128] : memref<5x64x1024xf32, #tpu.memory_space<vmem>>, vector<1x64x1024xf32>
    %swap3A_130 = vector.shape_cast %swap3A_129 : vector<1x64x1024xf32> to vector<64x1024xf32>
    %swap3A_131 = vector.shape_cast %dot_general3A_125 : vector<64x1024xf32> to vector<1x64x1024xf32>
    tpu.vector_store %arg14[%swap3A_126, %swap3A_127, %swap3A_128], %swap3A_131 {strides = array<i32>} : memref<5x64x1024xf32, #tpu.memory_space<vmem>>, vector<1x64x1024xf32>,
    %add3A_132 = arith.constant 1 : i32
    %add3A_133 = arith.addi %mul3A_0, %add3A_132 : i32
    %get3A_134 = arith.index_cast %add3A_133 : i32 to index
    %get3A_135 = arith.constant 0 : index
    %get3A_136 = vector.load %arg2[%get3A_134, %get3A_135] : memref<50x1024xi32, #tpu.memory_space<vmem>>, vector<1x1024xi32>
    %get3A_137 = vector.shape_cast %get3A_136 : vector<1x1024xi32> to vector<1024xi32>
    %broadcast_in_dim3A_138 = vector.shape_cast %get3A_137 : vector<1024xi32> to vector<1x1024xi32>
    %eq3A_139 = vector.broadcast %broadcast_in_dim3A_138 : vector<1x1024xi32> to vector<61x1024xi32>
    %eq3A_140 = arith.cmpi eq, %iota3A_109, %eq3A_139 : vector<61x1024xi32>
    %jit3A_141 = arith.constant 1.000000e+00 : f32
    %jit3A_142 = arith.constant 0.000000e+00 : f32
    %broadcast_in_dim3A_143 = vector.broadcast %jit3A_141 : f32 to vector<61x1024xf32>
    %broadcast_in_dim3A_144 = vector.broadcast %jit3A_142 : f32 to vector<61x1024xf32>
    %select_n3A_145 = arith.select %eq3A_140, %broadcast_in_dim3A_143, %broadcast_in_dim3A_144 : vector<61x1024xi1>, vector<61x1024xf32>
    %dot_general3A_146 = arith.constant dense<0.000000e+00> : vector<64x1024xf32>
    %dot_general3A_147 = tpu.matmul %get3A_108, %select_n3A_145, %dot_general3A_146 {dimension_numbers = #tpu.dot_dimension_numbers<[0], [0], [1], [1], [0, 1, 1, 1], [], []>, precision = #tpu.contract_precision<fp32>, transpose_lhs_hint = false} : vector<61x64xf32>, vector<61x1024xf32>, vector<64x1024xf32> -> vector<64x1024xf32>
    %swap3A_148 = arith.constant 1 : index
    %swap3A_149 = arith.constant 0 : index
    %swap3A_150 = arith.constant 0 : index
    %swap3A_151 = vector.load %arg14[%swap3A_148, %swap3A_149, %swap3A_150] : memref<5x64x1024xf32, #tpu.memory_space<vmem>>, vector<1x64x1024xf32>
    %swap3A_152 = vector.shape_cast %swap3A_151 : vector<1x64x1024xf32> to vector<64x1024xf32>
    %swap3A_153 = vector.shape_cast %dot_general3A_147 : vector<64x1024xf32> to vector<1x64x1024xf32>
    tpu.vector_store %arg14[%swap3A_148, %swap3A_149, %swap3A_150], %swap3A_153 {strides = array<i32>} : memref<5x64x1024xf32, #tpu.memory_space<vmem>>, vector<1x64x1024xf32>,
    %add3A_154 = arith.constant 2 : i32
    %add3A_155 = arith.addi %mul3A_0, %add3A_154 : i32
    %get3A_156 = arith.index_cast %add3A_155 : i32 to index
    %get3A_157 = arith.constant 0 : index
    %get3A_158 = vector.load %arg2[%get3A_156, %get3A_157] : memref<50x1024xi32, #tpu.memory_space<vmem>>, vector<1x1024xi32>
    %get3A_159 = vector.shape_cast %get3A_158 : vector<1x1024xi32> to vector<1024xi32>
    %broadcast_in_dim3A_160 = vector.shape_cast %get3A_159 : vector<1024xi32> to vector<1x1024xi32>
    %eq3A_161 = vector.broadcast %broadcast_in_dim3A_160 : vector<1x1024xi32> to vector<61x1024xi32>
    %eq3A_162 = arith.cmpi eq, %iota3A_109, %eq3A_161 : vector<61x1024xi32>
    %jit3A_163 = arith.constant 1.000000e+00 : f32
    %jit3A_164 = arith.constant 0.000000e+00 : f32
    %broadcast_in_dim3A_165 = vector.broadcast %jit3A_163 : f32 to vector<61x1024xf32>
    %broadcast_in_dim3A_166 = vector.broadcast %jit3A_164 : f32 to vector<61x1024xf32>
    %select_n3A_167 = arith.select %eq3A_162, %broadcast_in_dim3A_165, %broadcast_in_dim3A_166 : vector<61x1024xi1>, vector<61x1024xf32>
    %dot_general3A_168 = arith.constant dense<0.000000e+00> : vector<64x1024xf32>
    %dot_general3A_169 = tpu.matmul %get3A_108, %select_n3A_167, %dot_general3A_168 {dimension_numbers = #tpu.dot_dimension_numbers<[0], [0], [1], [1], [0, 1, 1, 1], [], []>, precision = #tpu.contract_precision<fp32>, transpose_lhs_hint = false} : vector<61x64xf32>, vector<61x1024xf32>, vector<64x1024xf32> -> vector<64x1024xf32>
    %swap3A_170 = arith.constant 2 : index
    %swap3A_171 = arith.constant 0 : index
    %swap3A_172 = arith.constant 0 : index
    %swap3A_173 = vector.load %arg14[%swap3A_170, %swap3A_171, %swap3A_172] : memref<5x64x1024xf32, #tpu.memory_space<vmem>>, vector<1x64x1024xf32>
    %swap3A_174 = vector.shape_cast %swap3A_173 : vector<1x64x1024xf32> to vector<64x1024xf32>
    %swap3A_175 = vector.shape_cast %dot_general3A_169 : vector<64x1024xf32> to vector<1x64x1024xf32>
    tpu.vector_store %arg14[%swap3A_170, %swap3A_171, %swap3A_172], %swap3A_175 {strides = array<i32>} : memref<5x64x1024xf32, #tpu.memory_space<vmem>>, vector<1x64x1024xf32>,
    %add3A_176 = arith.constant 3 : i32
    %add3A_177 = arith.addi %mul3A_0, %add3A_176 : i32
    %get3A_178 = arith.index_cast %add3A_177 : i32 to index
    %get3A_179 = arith.constant 0 : index
    %get3A_180 = vector.load %arg2[%get3A_178, %get3A_179] : memref<50x1024xi32, #tpu.memory_space<vmem>>, vector<1x1024xi32>
    %get3A_181 = vector.shape_cast %get3A_180 : vector<1x1024xi32> to vector<1024xi32>
    %broadcast_in_dim3A_182 = vector.shape_cast %get3A_181 : vector<1024xi32> to vector<1x1024xi32>
    %eq3A_183 = vector.broadcast %broadcast_in_dim3A_182 : vector<1x1024xi32> to vector<61x1024xi32>
    %eq3A_184 = arith.cmpi eq, %iota3A_109, %eq3A_183 : vector<61x1024xi32>
    %jit3A_185 = arith.constant 1.000000e+00 : f32
    %jit3A_186 = arith.constant 0.000000e+00 : f32
    %broadcast_in_dim3A_187 = vector.broadcast %jit3A_185 : f32 to vector<61x1024xf32>
    %broadcast_in_dim3A_188 = vector.broadcast %jit3A_186 : f32 to vector<61x1024xf32>
    %select_n3A_189 = arith.select %eq3A_184, %broadcast_in_dim3A_187, %broadcast_in_dim3A_188 : vector<61x1024xi1>, vector<61x1024xf32>
    %dot_general3A_190 = arith.constant dense<0.000000e+00> : vector<64x1024xf32>
    %dot_general3A_191 = tpu.matmul %get3A_108, %select_n3A_189, %dot_general3A_190 {dimension_numbers = #tpu.dot_dimension_numbers<[0], [0], [1], [1], [0, 1, 1, 1], [], []>, precision = #tpu.contract_precision<fp32>, transpose_lhs_hint = false} : vector<61x64xf32>, vector<61x1024xf32>, vector<64x1024xf32> -> vector<64x1024xf32>
    %swap3A_192 = arith.constant 3 : index
    %swap3A_193 = arith.constant 0 : index
    %swap3A_194 = arith.constant 0 : index
    %swap3A_195 = vector.load %arg14[%swap3A_192, %swap3A_193, %swap3A_194] : memref<5x64x1024xf32, #tpu.memory_space<vmem>>, vector<1x64x1024xf32>
    %swap3A_196 = vector.shape_cast %swap3A_195 : vector<1x64x1024xf32> to vector<64x1024xf32>
    %swap3A_197 = vector.shape_cast %dot_general3A_191 : vector<64x1024xf32> to vector<1x64x1024xf32>
    tpu.vector_store %arg14[%swap3A_192, %swap3A_193, %swap3A_194], %swap3A_197 {strides = array<i32>} : memref<5x64x1024xf32, #tpu.memory_space<vmem>>, vector<1x64x1024xf32>,
    %add3A_198 = arith.constant 4 : i32
    %add3A_199 = arith.addi %mul3A_0, %add3A_198 : i32
    %get3A_200 = arith.index_cast %add3A_199 : i32 to index
    %get3A_201 = arith.constant 0 : index
    %get3A_202 = vector.load %arg2[%get3A_200, %get3A_201] : memref<50x1024xi32, #tpu.memory_space<vmem>>, vector<1x1024xi32>
    %get3A_203 = vector.shape_cast %get3A_202 : vector<1x1024xi32> to vector<1024xi32>
    %broadcast_in_dim3A_204 = vector.shape_cast %get3A_203 : vector<1024xi32> to vector<1x1024xi32>
    %eq3A_205 = vector.broadcast %broadcast_in_dim3A_204 : vector<1x1024xi32> to vector<61x1024xi32>
    %eq3A_206 = arith.cmpi eq, %iota3A_109, %eq3A_205 : vector<61x1024xi32>
    %jit3A_207 = arith.constant 1.000000e+00 : f32
    %jit3A_208 = arith.constant 0.000000e+00 : f32
    %broadcast_in_dim3A_209 = vector.broadcast %jit3A_207 : f32 to vector<61x1024xf32>
    %broadcast_in_dim3A_210 = vector.broadcast %jit3A_208 : f32 to vector<61x1024xf32>
    %select_n3A_211 = arith.select %eq3A_206, %broadcast_in_dim3A_209, %broadcast_in_dim3A_210 : vector<61x1024xi1>, vector<61x1024xf32>
    %dot_general3A_212 = arith.constant dense<0.000000e+00> : vector<64x1024xf32>
    %dot_general3A_213 = tpu.matmul %get3A_108, %select_n3A_211, %dot_general3A_212 {dimension_numbers = #tpu.dot_dimension_numbers<[0], [0], [1], [1], [0, 1, 1, 1], [], []>, precision = #tpu.contract_precision<fp32>, transpose_lhs_hint = false} : vector<61x64xf32>, vector<61x1024xf32>, vector<64x1024xf32> -> vector<64x1024xf32>
    %swap3A_214 = arith.constant 4 : index
    %swap3A_215 = arith.constant 0 : index
    %swap3A_216 = arith.constant 0 : index
    %swap3A_217 = vector.load %arg14[%swap3A_214, %swap3A_215, %swap3A_216] : memref<5x64x1024xf32, #tpu.memory_space<vmem>>, vector<1x64x1024xf32>
    %swap3A_218 = vector.shape_cast %swap3A_217 : vector<1x64x1024xf32> to vector<64x1024xf32>
    %swap3A_219 = vector.shape_cast %dot_general3A_213 : vector<64x1024xf32> to vector<1x64x1024xf32>
    tpu.vector_store %arg14[%swap3A_214, %swap3A_215, %swap3A_216], %swap3A_219 {strides = array<i32>} : memref<5x64x1024xf32, #tpu.memory_space<vmem>>, vector<1x64x1024xf32>,
    %get3A_220 = arith.constant 0 : index
    %get3A_221 = arith.constant 0 : index
    %get3A_222 = vector.load %arg9[%get3A_220, %get3A_221] : memref<61x64xf32, #tpu.memory_space<vmem>>, vector<61x64xf32>
    %iota3A_223 = tpu.iota {dimensions = array<i32: 0>} : vector<61x1024xi32>
    %add3A_224 = arith.constant 0 : i32
    %add3A_225 = arith.addi %mul3A_0, %add3A_224 : i32
    %get3A_226 = arith.index_cast %add3A_225 : i32 to index
    %get3A_227 = arith.constant 0 : index
    %get3A_228 = vector.load %arg3[%get3A_226, %get3A_227] : memref<50x1024xi32, #tpu.memory_space<vmem>>, vector<1x1024xi32>
    %get3A_229 = vector.shape_cast %get3A_228 : vector<1x1024xi32> to vector<1024xi32>
    %broadcast_in_dim3A_230 = vector.shape_cast %get3A_229 : vector<1024xi32> to vector<1x1024xi32>
    %eq3A_231 = vector.broadcast %broadcast_in_dim3A_230 : vector<1x1024xi32> to vector<61x1024xi32>
    %eq3A_232 = arith.cmpi eq, %iota3A_223, %eq3A_231 : vector<61x1024xi32>
    %jit3A_233 = arith.constant 1.000000e+00 : f32
    %jit3A_234 = arith.constant 0.000000e+00 : f32
    %broadcast_in_dim3A_235 = vector.broadcast %jit3A_233 : f32 to vector<61x1024xf32>
    %broadcast_in_dim3A_236 = vector.broadcast %jit3A_234 : f32 to vector<61x1024xf32>
    %select_n3A_237 = arith.select %eq3A_232, %broadcast_in_dim3A_235, %broadcast_in_dim3A_236 : vector<61x1024xi1>, vector<61x1024xf32>
    %dot_general3A_238 = arith.constant dense<0.000000e+00> : vector<64x1024xf32>
    %dot_general3A_239 = tpu.matmul %get3A_222, %select_n3A_237, %dot_general3A_238 {dimension_numbers = #tpu.dot_dimension_numbers<[0], [0], [1], [1], [0, 1, 1, 1], [], []>, precision = #tpu.contract_precision<fp32>, transpose_lhs_hint = false} : vector<61x64xf32>, vector<61x1024xf32>, vector<64x1024xf32> -> vector<64x1024xf32>
    %swap3A_240 = arith.constant 0 : index
    %swap3A_241 = arith.constant 0 : index
    %swap3A_242 = arith.constant 0 : index
    %swap3A_243 = vector.load %arg15[%swap3A_240, %swap3A_241, %swap3A_242] : memref<5x64x1024xf32, #tpu.memory_space<vmem>>, vector<1x64x1024xf32>
    %swap3A_244 = vector.shape_cast %swap3A_243 : vector<1x64x1024xf32> to vector<64x1024xf32>
    %swap3A_245 = vector.shape_cast %dot_general3A_239 : vector<64x1024xf32> to vector<1x64x1024xf32>
    tpu.vector_store %arg15[%swap3A_240, %swap3A_241, %swap3A_242], %swap3A_245 {strides = array<i32>} : memref<5x64x1024xf32, #tpu.memory_space<vmem>>, vector<1x64x1024xf32>,
    %add3A_246 = arith.constant 1 : i32
    %add3A_247 = arith.addi %mul3A_0, %add3A_246 : i32
    %get3A_248 = arith.index_cast %add3A_247 : i32 to index
    %get3A_249 = arith.constant 0 : index
    %get3A_250 = vector.load %arg3[%get3A_248, %get3A_249] : memref<50x1024xi32, #tpu.memory_space<vmem>>, vector<1x1024xi32>
    %get3A_251 = vector.shape_cast %get3A_250 : vector<1x1024xi32> to vector<1024xi32>
    %broadcast_in_dim3A_252 = vector.shape_cast %get3A_251 : vector<1024xi32> to vector<1x1024xi32>
    %eq3A_253 = vector.broadcast %broadcast_in_dim3A_252 : vector<1x1024xi32> to vector<61x1024xi32>
    %eq3A_254 = arith.cmpi eq, %iota3A_223, %eq3A_253 : vector<61x1024xi32>
    %jit3A_255 = arith.constant 1.000000e+00 : f32
    %jit3A_256 = arith.constant 0.000000e+00 : f32
    %broadcast_in_dim3A_257 = vector.broadcast %jit3A_255 : f32 to vector<61x1024xf32>
    %broadcast_in_dim3A_258 = vector.broadcast %jit3A_256 : f32 to vector<61x1024xf32>
    %select_n3A_259 = arith.select %eq3A_254, %broadcast_in_dim3A_257, %broadcast_in_dim3A_258 : vector<61x1024xi1>, vector<61x1024xf32>
    %dot_general3A_260 = arith.constant dense<0.000000e+00> : vector<64x1024xf32>
    %dot_general3A_261 = tpu.matmul %get3A_222, %select_n3A_259, %dot_general3A_260 {dimension_numbers = #tpu.dot_dimension_numbers<[0], [0], [1], [1], [0, 1, 1, 1], [], []>, precision = #tpu.contract_precision<fp32>, transpose_lhs_hint = false} : vector<61x64xf32>, vector<61x1024xf32>, vector<64x1024xf32> -> vector<64x1024xf32>
    %swap3A_262 = arith.constant 1 : index
    %swap3A_263 = arith.constant 0 : index
    %swap3A_264 = arith.constant 0 : index
    %swap3A_265 = vector.load %arg15[%swap3A_262, %swap3A_263, %swap3A_264] : memref<5x64x1024xf32, #tpu.memory_space<vmem>>, vector<1x64x1024xf32>
    %swap3A_266 = vector.shape_cast %swap3A_265 : vector<1x64x1024xf32> to vector<64x1024xf32>
    %swap3A_267 = vector.shape_cast %dot_general3A_261 : vector<64x1024xf32> to vector<1x64x1024xf32>
    tpu.vector_store %arg15[%swap3A_262, %swap3A_263, %swap3A_264], %swap3A_267 {strides = array<i32>} : memref<5x64x1024xf32, #tpu.memory_space<vmem>>, vector<1x64x1024xf32>,
    %add3A_268 = arith.constant 2 : i32
    %add3A_269 = arith.addi %mul3A_0, %add3A_268 : i32
    %get3A_270 = arith.index_cast %add3A_269 : i32 to index
    %get3A_271 = arith.constant 0 : index
    %get3A_272 = vector.load %arg3[%get3A_270, %get3A_271] : memref<50x1024xi32, #tpu.memory_space<vmem>>, vector<1x1024xi32>
    %get3A_273 = vector.shape_cast %get3A_272 : vector<1x1024xi32> to vector<1024xi32>
    %broadcast_in_dim3A_274 = vector.shape_cast %get3A_273 : vector<1024xi32> to vector<1x1024xi32>
    %eq3A_275 = vector.broadcast %broadcast_in_dim3A_274 : vector<1x1024xi32> to vector<61x1024xi32>
    %eq3A_276 = arith.cmpi eq, %iota3A_223, %eq3A_275 : vector<61x1024xi32>
    %jit3A_277 = arith.constant 1.000000e+00 : f32
    %jit3A_278 = arith.constant 0.000000e+00 : f32
    %broadcast_in_dim3A_279 = vector.broadcast %jit3A_277 : f32 to vector<61x1024xf32>
    %broadcast_in_dim3A_280 = vector.broadcast %jit3A_278 : f32 to vector<61x1024xf32>
    %select_n3A_281 = arith.select %eq3A_276, %broadcast_in_dim3A_279, %broadcast_in_dim3A_280 : vector<61x1024xi1>, vector<61x1024xf32>
    %dot_general3A_282 = arith.constant dense<0.000000e+00> : vector<64x1024xf32>
    %dot_general3A_283 = tpu.matmul %get3A_222, %select_n3A_281, %dot_general3A_282 {dimension_numbers = #tpu.dot_dimension_numbers<[0], [0], [1], [1], [0, 1, 1, 1], [], []>, precision = #tpu.contract_precision<fp32>, transpose_lhs_hint = false} : vector<61x64xf32>, vector<61x1024xf32>, vector<64x1024xf32> -> vector<64x1024xf32>
    %swap3A_284 = arith.constant 2 : index
    %swap3A_285 = arith.constant 0 : index
    %swap3A_286 = arith.constant 0 : index
    %swap3A_287 = vector.load %arg15[%swap3A_284, %swap3A_285, %swap3A_286] : memref<5x64x1024xf32, #tpu.memory_space<vmem>>, vector<1x64x1024xf32>
    %swap3A_288 = vector.shape_cast %swap3A_287 : vector<1x64x1024xf32> to vector<64x1024xf32>
    %swap3A_289 = vector.shape_cast %dot_general3A_283 : vector<64x1024xf32> to vector<1x64x1024xf32>
    tpu.vector_store %arg15[%swap3A_284, %swap3A_285, %swap3A_286], %swap3A_289 {strides = array<i32>} : memref<5x64x1024xf32, #tpu.memory_space<vmem>>, vector<1x64x1024xf32>,
    %add3A_290 = arith.constant 3 : i32
    %add3A_291 = arith.addi %mul3A_0, %add3A_290 : i32
    %get3A_292 = arith.index_cast %add3A_291 : i32 to index
    %get3A_293 = arith.constant 0 : index
    %get3A_294 = vector.load %arg3[%get3A_292, %get3A_293] : memref<50x1024xi32, #tpu.memory_space<vmem>>, vector<1x1024xi32>
    %get3A_295 = vector.shape_cast %get3A_294 : vector<1x1024xi32> to vector<1024xi32>
    %broadcast_in_dim3A_296 = vector.shape_cast %get3A_295 : vector<1024xi32> to vector<1x1024xi32>
    %eq3A_297 = vector.broadcast %broadcast_in_dim3A_296 : vector<1x1024xi32> to vector<61x1024xi32>
    %eq3A_298 = arith.cmpi eq, %iota3A_223, %eq3A_297 : vector<61x1024xi32>
    %jit3A_299 = arith.constant 1.000000e+00 : f32
    %jit3A_300 = arith.constant 0.000000e+00 : f32
    %broadcast_in_dim3A_301 = vector.broadcast %jit3A_299 : f32 to vector<61x1024xf32>
    %broadcast_in_dim3A_302 = vector.broadcast %jit3A_300 : f32 to vector<61x1024xf32>
    %select_n3A_303 = arith.select %eq3A_298, %broadcast_in_dim3A_301, %broadcast_in_dim3A_302 : vector<61x1024xi1>, vector<61x1024xf32>
    %dot_general3A_304 = arith.constant dense<0.000000e+00> : vector<64x1024xf32>
    %dot_general3A_305 = tpu.matmul %get3A_222, %select_n3A_303, %dot_general3A_304 {dimension_numbers = #tpu.dot_dimension_numbers<[0], [0], [1], [1], [0, 1, 1, 1], [], []>, precision = #tpu.contract_precision<fp32>, transpose_lhs_hint = false} : vector<61x64xf32>, vector<61x1024xf32>, vector<64x1024xf32> -> vector<64x1024xf32>
    %swap3A_306 = arith.constant 3 : index
    %swap3A_307 = arith.constant 0 : index
    %swap3A_308 = arith.constant 0 : index
    %swap3A_309 = vector.load %arg15[%swap3A_306, %swap3A_307, %swap3A_308] : memref<5x64x1024xf32, #tpu.memory_space<vmem>>, vector<1x64x1024xf32>
    %swap3A_310 = vector.shape_cast %swap3A_309 : vector<1x64x1024xf32> to vector<64x1024xf32>
    %swap3A_311 = vector.shape_cast %dot_general3A_305 : vector<64x1024xf32> to vector<1x64x1024xf32>
    tpu.vector_store %arg15[%swap3A_306, %swap3A_307, %swap3A_308], %swap3A_311 {strides = array<i32>} : memref<5x64x1024xf32, #tpu.memory_space<vmem>>, vector<1x64x1024xf32>,
    %add3A_312 = arith.constant 4 : i32
    %add3A_313 = arith.addi %mul3A_0, %add3A_312 : i32
    %get3A_314 = arith.index_cast %add3A_313 : i32 to index
    %get3A_315 = arith.constant 0 : index
    %get3A_316 = vector.load %arg3[%get3A_314, %get3A_315] : memref<50x1024xi32, #tpu.memory_space<vmem>>, vector<1x1024xi32>
    %get3A_317 = vector.shape_cast %get3A_316 : vector<1x1024xi32> to vector<1024xi32>
    %broadcast_in_dim3A_318 = vector.shape_cast %get3A_317 : vector<1024xi32> to vector<1x1024xi32>
    %eq3A_319 = vector.broadcast %broadcast_in_dim3A_318 : vector<1x1024xi32> to vector<61x1024xi32>
    %eq3A_320 = arith.cmpi eq, %iota3A_223, %eq3A_319 : vector<61x1024xi32>
    %jit3A_321 = arith.constant 1.000000e+00 : f32
    %jit3A_322 = arith.constant 0.000000e+00 : f32
    %broadcast_in_dim3A_323 = vector.broadcast %jit3A_321 : f32 to vector<61x1024xf32>
    %broadcast_in_dim3A_324 = vector.broadcast %jit3A_322 : f32 to vector<61x1024xf32>
    %select_n3A_325 = arith.select %eq3A_320, %broadcast_in_dim3A_323, %broadcast_in_dim3A_324 : vector<61x1024xi1>, vector<61x1024xf32>
    %dot_general3A_326 = arith.constant dense<0.000000e+00> : vector<64x1024xf32>
    %dot_general3A_327 = tpu.matmul %get3A_222, %select_n3A_325, %dot_general3A_326 {dimension_numbers = #tpu.dot_dimension_numbers<[0], [0], [1], [1], [0, 1, 1, 1], [], []>, precision = #tpu.contract_precision<fp32>, transpose_lhs_hint = false} : vector<61x64xf32>, vector<61x1024xf32>, vector<64x1024xf32> -> vector<64x1024xf32>
    %swap3A_328 = arith.constant 4 : index
    %swap3A_329 = arith.constant 0 : index
    %swap3A_330 = arith.constant 0 : index
    %swap3A_331 = vector.load %arg15[%swap3A_328, %swap3A_329, %swap3A_330] : memref<5x64x1024xf32, #tpu.memory_space<vmem>>, vector<1x64x1024xf32>
    %swap3A_332 = vector.shape_cast %swap3A_331 : vector<1x64x1024xf32> to vector<64x1024xf32>
    %swap3A_333 = vector.shape_cast %dot_general3A_327 : vector<64x1024xf32> to vector<1x64x1024xf32>
    tpu.vector_store %arg15[%swap3A_328, %swap3A_329, %swap3A_330], %swap3A_333 {strides = array<i32>} : memref<5x64x1024xf32, #tpu.memory_space<vmem>>, vector<1x64x1024xf32>,
    %get3A_334 = arith.constant 0 : index
    %get3A_335 = arith.constant 0 : index
    %get3A_336 = vector.load %arg10[%get3A_334, %get3A_335] : memref<25x64xf32, #tpu.memory_space<vmem>>, vector<25x64xf32>
    %iota3A_337 = tpu.iota {dimensions = array<i32: 0>} : vector<25x1024xi32>
    %add3A_338 = arith.constant 0 : i32
    %add3A_339 = arith.addi %mul3A_0, %add3A_338 : i32
    %get3A_340 = arith.index_cast %add3A_339 : i32 to index
    %get3A_341 = arith.constant 0 : index
    %get3A_342 = vector.load %arg4[%get3A_340, %get3A_341] : memref<50x1024xi32, #tpu.memory_space<vmem>>, vector<1x1024xi32>
    %get3A_343 = vector.shape_cast %get3A_342 : vector<1x1024xi32> to vector<1024xi32>
    %broadcast_in_dim3A_344 = vector.shape_cast %get3A_343 : vector<1024xi32> to vector<1x1024xi32>
    %eq3A_345 = vector.broadcast %broadcast_in_dim3A_344 : vector<1x1024xi32> to vector<25x1024xi32>
    %eq3A_346 = arith.cmpi eq, %iota3A_337, %eq3A_345 : vector<25x1024xi32>
    %jit3A_347 = arith.constant 1.000000e+00 : f32
    %jit3A_348 = arith.constant 0.000000e+00 : f32
    %broadcast_in_dim3A_349 = vector.broadcast %jit3A_347 : f32 to vector<25x1024xf32>
    %broadcast_in_dim3A_350 = vector.broadcast %jit3A_348 : f32 to vector<25x1024xf32>
    %select_n3A_351 = arith.select %eq3A_346, %broadcast_in_dim3A_349, %broadcast_in_dim3A_350 : vector<25x1024xi1>, vector<25x1024xf32>
    %dot_general3A_352 = arith.constant dense<0.000000e+00> : vector<64x1024xf32>
    %dot_general3A_353 = tpu.matmul %get3A_336, %select_n3A_351, %dot_general3A_352 {dimension_numbers = #tpu.dot_dimension_numbers<[0], [0], [1], [1], [0, 1, 1, 1], [], []>, precision = #tpu.contract_precision<fp32>, transpose_lhs_hint = false} : vector<25x64xf32>, vector<25x1024xf32>, vector<64x1024xf32> -> vector<64x1024xf32>
    %swap3A_354 = arith.constant 0 : index
    %swap3A_355 = arith.constant 0 : index
    %swap3A_356 = arith.constant 0 : index
    %swap3A_357 = vector.load %arg16[%swap3A_354, %swap3A_355, %swap3A_356] : memref<5x64x1024xf32, #tpu.memory_space<vmem>>, vector<1x64x1024xf32>
    %swap3A_358 = vector.shape_cast %swap3A_357 : vector<1x64x1024xf32> to vector<64x1024xf32>
    %swap3A_359 = vector.shape_cast %dot_general3A_353 : vector<64x1024xf32> to vector<1x64x1024xf32>
    tpu.vector_store %arg16[%swap3A_354, %swap3A_355, %swap3A_356], %swap3A_359 {strides = array<i32>} : memref<5x64x1024xf32, #tpu.memory_space<vmem>>, vector<1x64x1024xf32>,
    %add3A_360 = arith.constant 1 : i32
    %add3A_361 = arith.addi %mul3A_0, %add3A_360 : i32
    %get3A_362 = arith.index_cast %add3A_361 : i32 to index
    %get3A_363 = arith.constant 0 : index
    %get3A_364 = vector.load %arg4[%get3A_362, %get3A_363] : memref<50x1024xi32, #tpu.memory_space<vmem>>, vector<1x1024xi32>
    %get3A_365 = vector.shape_cast %get3A_364 : vector<1x1024xi32> to vector<1024xi32>
    %broadcast_in_dim3A_366 = vector.shape_cast %get3A_365 : vector<1024xi32> to vector<1x1024xi32>
    %eq3A_367 = vector.broadcast %broadcast_in_dim3A_366 : vector<1x1024xi32> to vector<25x1024xi32>
    %eq3A_368 = arith.cmpi eq, %iota3A_337, %eq3A_367 : vector<25x1024xi32>
    %jit3A_369 = arith.constant 1.000000e+00 : f32
    %jit3A_370 = arith.constant 0.000000e+00 : f32
    %broadcast_in_dim3A_371 = vector.broadcast %jit3A_369 : f32 to vector<25x1024xf32>
    %broadcast_in_dim3A_372 = vector.broadcast %jit3A_370 : f32 to vector<25x1024xf32>
    %select_n3A_373 = arith.select %eq3A_368, %broadcast_in_dim3A_371, %broadcast_in_dim3A_372 : vector<25x1024xi1>, vector<25x1024xf32>
    %dot_general3A_374 = arith.constant dense<0.000000e+00> : vector<64x1024xf32>
    %dot_general3A_375 = tpu.matmul %get3A_336, %select_n3A_373, %dot_general3A_374 {dimension_numbers = #tpu.dot_dimension_numbers<[0], [0], [1], [1], [0, 1, 1, 1], [], []>, precision = #tpu.contract_precision<fp32>, transpose_lhs_hint = false} : vector<25x64xf32>, vector<25x1024xf32>, vector<64x1024xf32> -> vector<64x1024xf32>
    %swap3A_376 = arith.constant 1 : index
    %swap3A_377 = arith.constant 0 : index
    %swap3A_378 = arith.constant 0 : index
    %swap3A_379 = vector.load %arg16[%swap3A_376, %swap3A_377, %swap3A_378] : memref<5x64x1024xf32, #tpu.memory_space<vmem>>, vector<1x64x1024xf32>
    %swap3A_380 = vector.shape_cast %swap3A_379 : vector<1x64x1024xf32> to vector<64x1024xf32>
    %swap3A_381 = vector.shape_cast %dot_general3A_375 : vector<64x1024xf32> to vector<1x64x1024xf32>
    tpu.vector_store %arg16[%swap3A_376, %swap3A_377, %swap3A_378], %swap3A_381 {strides = array<i32>} : memref<5x64x1024xf32, #tpu.memory_space<vmem>>, vector<1x64x1024xf32>,
    %add3A_382 = arith.constant 2 : i32
    %add3A_383 = arith.addi %mul3A_0, %add3A_382 : i32
    %get3A_384 = arith.index_cast %add3A_383 : i32 to index
    %get3A_385 = arith.constant 0 : index
    %get3A_386 = vector.load %arg4[%get3A_384, %get3A_385] : memref<50x1024xi32, #tpu.memory_space<vmem>>, vector<1x1024xi32>
    %get3A_387 = vector.shape_cast %get3A_386 : vector<1x1024xi32> to vector<1024xi32>
    %broadcast_in_dim3A_388 = vector.shape_cast %get3A_387 : vector<1024xi32> to vector<1x1024xi32>
    %eq3A_389 = vector.broadcast %broadcast_in_dim3A_388 : vector<1x1024xi32> to vector<25x1024xi32>
    %eq3A_390 = arith.cmpi eq, %iota3A_337, %eq3A_389 : vector<25x1024xi32>
    %jit3A_391 = arith.constant 1.000000e+00 : f32
    %jit3A_392 = arith.constant 0.000000e+00 : f32
    %broadcast_in_dim3A_393 = vector.broadcast %jit3A_391 : f32 to vector<25x1024xf32>
    %broadcast_in_dim3A_394 = vector.broadcast %jit3A_392 : f32 to vector<25x1024xf32>
    %select_n3A_395 = arith.select %eq3A_390, %broadcast_in_dim3A_393, %broadcast_in_dim3A_394 : vector<25x1024xi1>, vector<25x1024xf32>
    %dot_general3A_396 = arith.constant dense<0.000000e+00> : vector<64x1024xf32>
    %dot_general3A_397 = tpu.matmul %get3A_336, %select_n3A_395, %dot_general3A_396 {dimension_numbers = #tpu.dot_dimension_numbers<[0], [0], [1], [1], [0, 1, 1, 1], [], []>, precision = #tpu.contract_precision<fp32>, transpose_lhs_hint = false} : vector<25x64xf32>, vector<25x1024xf32>, vector<64x1024xf32> -> vector<64x1024xf32>
    %swap3A_398 = arith.constant 2 : index
    %swap3A_399 = arith.constant 0 : index
    %swap3A_400 = arith.constant 0 : index
    %swap3A_401 = vector.load %arg16[%swap3A_398, %swap3A_399, %swap3A_400] : memref<5x64x1024xf32, #tpu.memory_space<vmem>>, vector<1x64x1024xf32>
    %swap3A_402 = vector.shape_cast %swap3A_401 : vector<1x64x1024xf32> to vector<64x1024xf32>
    %swap3A_403 = vector.shape_cast %dot_general3A_397 : vector<64x1024xf32> to vector<1x64x1024xf32>
    tpu.vector_store %arg16[%swap3A_398, %swap3A_399, %swap3A_400], %swap3A_403 {strides = array<i32>} : memref<5x64x1024xf32, #tpu.memory_space<vmem>>, vector<1x64x1024xf32>,
    %add3A_404 = arith.constant 3 : i32
    %add3A_405 = arith.addi %mul3A_0, %add3A_404 : i32
    %get3A_406 = arith.index_cast %add3A_405 : i32 to index
    %get3A_407 = arith.constant 0 : index
    %get3A_408 = vector.load %arg4[%get3A_406, %get3A_407] : memref<50x1024xi32, #tpu.memory_space<vmem>>, vector<1x1024xi32>
    %get3A_409 = vector.shape_cast %get3A_408 : vector<1x1024xi32> to vector<1024xi32>
    %broadcast_in_dim3A_410 = vector.shape_cast %get3A_409 : vector<1024xi32> to vector<1x1024xi32>
    %eq3A_411 = vector.broadcast %broadcast_in_dim3A_410 : vector<1x1024xi32> to vector<25x1024xi32>
    %eq3A_412 = arith.cmpi eq, %iota3A_337, %eq3A_411 : vector<25x1024xi32>
    %jit3A_413 = arith.constant 1.000000e+00 : f32
    %jit3A_414 = arith.constant 0.000000e+00 : f32
    %broadcast_in_dim3A_415 = vector.broadcast %jit3A_413 : f32 to vector<25x1024xf32>
    %broadcast_in_dim3A_416 = vector.broadcast %jit3A_414 : f32 to vector<25x1024xf32>
    %select_n3A_417 = arith.select %eq3A_412, %broadcast_in_dim3A_415, %broadcast_in_dim3A_416 : vector<25x1024xi1>, vector<25x1024xf32>
    %dot_general3A_418 = arith.constant dense<0.000000e+00> : vector<64x1024xf32>
    %dot_general3A_419 = tpu.matmul %get3A_336, %select_n3A_417, %dot_general3A_418 {dimension_numbers = #tpu.dot_dimension_numbers<[0], [0], [1], [1], [0, 1, 1, 1], [], []>, precision = #tpu.contract_precision<fp32>, transpose_lhs_hint = false} : vector<25x64xf32>, vector<25x1024xf32>, vector<64x1024xf32> -> vector<64x1024xf32>
    %swap3A_420 = arith.constant 3 : index
    %swap3A_421 = arith.constant 0 : index
    %swap3A_422 = arith.constant 0 : index
    %swap3A_423 = vector.load %arg16[%swap3A_420, %swap3A_421, %swap3A_422] : memref<5x64x1024xf32, #tpu.memory_space<vmem>>, vector<1x64x1024xf32>
    %swap3A_424 = vector.shape_cast %swap3A_423 : vector<1x64x1024xf32> to vector<64x1024xf32>
    %swap3A_425 = vector.shape_cast %dot_general3A_419 : vector<64x1024xf32> to vector<1x64x1024xf32>
    tpu.vector_store %arg16[%swap3A_420, %swap3A_421, %swap3A_422], %swap3A_425 {strides = array<i32>} : memref<5x64x1024xf32, #tpu.memory_space<vmem>>, vector<1x64x1024xf32>,
    %add3A_426 = arith.constant 4 : i32
    %add3A_427 = arith.addi %mul3A_0, %add3A_426 : i32
    %get3A_428 = arith.index_cast %add3A_427 : i32 to index
    %get3A_429 = arith.constant 0 : index
    %get3A_430 = vector.load %arg4[%get3A_428, %get3A_429] : memref<50x1024xi32, #tpu.memory_space<vmem>>, vector<1x1024xi32>
    %get3A_431 = vector.shape_cast %get3A_430 : vector<1x1024xi32> to vector<1024xi32>
    %broadcast_in_dim3A_432 = vector.shape_cast %get3A_431 : vector<1024xi32> to vector<1x1024xi32>
    %eq3A_433 = vector.broadcast %broadcast_in_dim3A_432 : vector<1x1024xi32> to vector<25x1024xi32>
    %eq3A_434 = arith.cmpi eq, %iota3A_337, %eq3A_433 : vector<25x1024xi32>
    %jit3A_435 = arith.constant 1.000000e+00 : f32
    %jit3A_436 = arith.constant 0.000000e+00 : f32
    %broadcast_in_dim3A_437 = vector.broadcast %jit3A_435 : f32 to vector<25x1024xf32>
    %broadcast_in_dim3A_438 = vector.broadcast %jit3A_436 : f32 to vector<25x1024xf32>
    %select_n3A_439 = arith.select %eq3A_434, %broadcast_in_dim3A_437, %broadcast_in_dim3A_438 : vector<25x1024xi1>, vector<25x1024xf32>
    %dot_general3A_440 = arith.constant dense<0.000000e+00> : vector<64x1024xf32>
    %dot_general3A_441 = tpu.matmul %get3A_336, %select_n3A_439, %dot_general3A_440 {dimension_numbers = #tpu.dot_dimension_numbers<[0], [0], [1], [1], [0, 1, 1, 1], [], []>, precision = #tpu.contract_precision<fp32>, transpose_lhs_hint = false} : vector<25x64xf32>, vector<25x1024xf32>, vector<64x1024xf32> -> vector<64x1024xf32>
    %swap3A_442 = arith.constant 4 : index
    %swap3A_443 = arith.constant 0 : index
    %swap3A_444 = arith.constant 0 : index
    %swap3A_445 = vector.load %arg16[%swap3A_442, %swap3A_443, %swap3A_444] : memref<5x64x1024xf32, #tpu.memory_space<vmem>>, vector<1x64x1024xf32>
    %swap3A_446 = vector.shape_cast %swap3A_445 : vector<1x64x1024xf32> to vector<64x1024xf32>
    %swap3A_447 = vector.shape_cast %dot_general3A_441 : vector<64x1024xf32> to vector<1x64x1024xf32>
    tpu.vector_store %arg16[%swap3A_442, %swap3A_443, %swap3A_444], %swap3A_447 {strides = array<i32>} : memref<5x64x1024xf32, #tpu.memory_space<vmem>>, vector<1x64x1024xf32>,
    %get3A_448 = arith.constant 0 : index
    %get3A_449 = arith.constant 0 : index
    %get3A_450 = vector.load %arg11[%get3A_448, %get3A_449] : memref<61x64xf32, #tpu.memory_space<vmem>>, vector<61x64xf32>
    %iota3A_451 = tpu.iota {dimensions = array<i32: 0>} : vector<61x1024xi32>
    %add3A_452 = arith.constant 0 : i32
    %add3A_453 = arith.addi %mul3A_0, %add3A_452 : i32
    %get3A_454 = arith.index_cast %add3A_453 : i32 to index
    %get3A_455 = arith.constant 0 : index
    %get3A_456 = vector.load %arg5[%get3A_454, %get3A_455] : memref<50x1024xi32, #tpu.memory_space<vmem>>, vector<1x1024xi32>
    %get3A_457 = vector.shape_cast %get3A_456 : vector<1x1024xi32> to vector<1024xi32>
    %broadcast_in_dim3A_458 = vector.shape_cast %get3A_457 : vector<1024xi32> to vector<1x1024xi32>
    %eq3A_459 = vector.broadcast %broadcast_in_dim3A_458 : vector<1x1024xi32> to vector<61x1024xi32>
    %eq3A_460 = arith.cmpi eq, %iota3A_451, %eq3A_459 : vector<61x1024xi32>
    %jit3A_461 = arith.constant 1.000000e+00 : f32
    %jit3A_462 = arith.constant 0.000000e+00 : f32
    %broadcast_in_dim3A_463 = vector.broadcast %jit3A_461 : f32 to vector<61x1024xf32>
    %broadcast_in_dim3A_464 = vector.broadcast %jit3A_462 : f32 to vector<61x1024xf32>
    %select_n3A_465 = arith.select %eq3A_460, %broadcast_in_dim3A_463, %broadcast_in_dim3A_464 : vector<61x1024xi1>, vector<61x1024xf32>
    %dot_general3A_466 = arith.constant dense<0.000000e+00> : vector<64x1024xf32>
    %dot_general3A_467 = tpu.matmul %get3A_450, %select_n3A_465, %dot_general3A_466 {dimension_numbers = #tpu.dot_dimension_numbers<[0], [0], [1], [1], [0, 1, 1, 1], [], []>, precision = #tpu.contract_precision<fp32>, transpose_lhs_hint = false} : vector<61x64xf32>, vector<61x1024xf32>, vector<64x1024xf32> -> vector<64x1024xf32>
    %swap3A_468 = arith.constant 0 : index
    %swap3A_469 = arith.constant 0 : index
    %swap3A_470 = arith.constant 0 : index
    %swap3A_471 = vector.load %arg17[%swap3A_468, %swap3A_469, %swap3A_470] : memref<5x64x1024xf32, #tpu.memory_space<vmem>>, vector<1x64x1024xf32>
    %swap3A_472 = vector.shape_cast %swap3A_471 : vector<1x64x1024xf32> to vector<64x1024xf32>
    %swap3A_473 = vector.shape_cast %dot_general3A_467 : vector<64x1024xf32> to vector<1x64x1024xf32>
    tpu.vector_store %arg17[%swap3A_468, %swap3A_469, %swap3A_470], %swap3A_473 {strides = array<i32>} : memref<5x64x1024xf32, #tpu.memory_space<vmem>>, vector<1x64x1024xf32>,
    %add3A_474 = arith.constant 1 : i32
    %add3A_475 = arith.addi %mul3A_0, %add3A_474 : i32
    %get3A_476 = arith.index_cast %add3A_475 : i32 to index
    %get3A_477 = arith.constant 0 : index
    %get3A_478 = vector.load %arg5[%get3A_476, %get3A_477] : memref<50x1024xi32, #tpu.memory_space<vmem>>, vector<1x1024xi32>
    %get3A_479 = vector.shape_cast %get3A_478 : vector<1x1024xi32> to vector<1024xi32>
    %broadcast_in_dim3A_480 = vector.shape_cast %get3A_479 : vector<1024xi32> to vector<1x1024xi32>
    %eq3A_481 = vector.broadcast %broadcast_in_dim3A_480 : vector<1x1024xi32> to vector<61x1024xi32>
    %eq3A_482 = arith.cmpi eq, %iota3A_451, %eq3A_481 : vector<61x1024xi32>
    %jit3A_483 = arith.constant 1.000000e+00 : f32
    %jit3A_484 = arith.constant 0.000000e+00 : f32
    %broadcast_in_dim3A_485 = vector.broadcast %jit3A_483 : f32 to vector<61x1024xf32>
    %broadcast_in_dim3A_486 = vector.broadcast %jit3A_484 : f32 to vector<61x1024xf32>
    %select_n3A_487 = arith.select %eq3A_482, %broadcast_in_dim3A_485, %broadcast_in_dim3A_486 : vector<61x1024xi1>, vector<61x1024xf32>
    %dot_general3A_488 = arith.constant dense<0.000000e+00> : vector<64x1024xf32>
    %dot_general3A_489 = tpu.matmul %get3A_450, %select_n3A_487, %dot_general3A_488 {dimension_numbers = #tpu.dot_dimension_numbers<[0], [0], [1], [1], [0, 1, 1, 1], [], []>, precision = #tpu.contract_precision<fp32>, transpose_lhs_hint = false} : vector<61x64xf32>, vector<61x1024xf32>, vector<64x1024xf32> -> vector<64x1024xf32>
    %swap3A_490 = arith.constant 1 : index
    %swap3A_491 = arith.constant 0 : index
    %swap3A_492 = arith.constant 0 : index
    %swap3A_493 = vector.load %arg17[%swap3A_490, %swap3A_491, %swap3A_492] : memref<5x64x1024xf32, #tpu.memory_space<vmem>>, vector<1x64x1024xf32>
    %swap3A_494 = vector.shape_cast %swap3A_493 : vector<1x64x1024xf32> to vector<64x1024xf32>
    %swap3A_495 = vector.shape_cast %dot_general3A_489 : vector<64x1024xf32> to vector<1x64x1024xf32>
    tpu.vector_store %arg17[%swap3A_490, %swap3A_491, %swap3A_492], %swap3A_495 {strides = array<i32>} : memref<5x64x1024xf32, #tpu.memory_space<vmem>>, vector<1x64x1024xf32>,
    %add3A_496 = arith.constant 2 : i32
    %add3A_497 = arith.addi %mul3A_0, %add3A_496 : i32
    %get3A_498 = arith.index_cast %add3A_497 : i32 to index
    %get3A_499 = arith.constant 0 : index
    %get3A_500 = vector.load %arg5[%get3A_498, %get3A_499] : memref<50x1024xi32, #tpu.memory_space<vmem>>, vector<1x1024xi32>
    %get3A_501 = vector.shape_cast %get3A_500 : vector<1x1024xi32> to vector<1024xi32>
    %broadcast_in_dim3A_502 = vector.shape_cast %get3A_501 : vector<1024xi32> to vector<1x1024xi32>
    %eq3A_503 = vector.broadcast %broadcast_in_dim3A_502 : vector<1x1024xi32> to vector<61x1024xi32>
    %eq3A_504 = arith.cmpi eq, %iota3A_451, %eq3A_503 : vector<61x1024xi32>
    %jit3A_505 = arith.constant 1.000000e+00 : f32
    %jit3A_506 = arith.constant 0.000000e+00 : f32
    %broadcast_in_dim3A_507 = vector.broadcast %jit3A_505 : f32 to vector<61x1024xf32>
    %broadcast_in_dim3A_508 = vector.broadcast %jit3A_506 : f32 to vector<61x1024xf32>
    %select_n3A_509 = arith.select %eq3A_504, %broadcast_in_dim3A_507, %broadcast_in_dim3A_508 : vector<61x1024xi1>, vector<61x1024xf32>
    %dot_general3A_510 = arith.constant dense<0.000000e+00> : vector<64x1024xf32>
    %dot_general3A_511 = tpu.matmul %get3A_450, %select_n3A_509, %dot_general3A_510 {dimension_numbers = #tpu.dot_dimension_numbers<[0], [0], [1], [1], [0, 1, 1, 1], [], []>, precision = #tpu.contract_precision<fp32>, transpose_lhs_hint = false} : vector<61x64xf32>, vector<61x1024xf32>, vector<64x1024xf32> -> vector<64x1024xf32>
    %swap3A_512 = arith.constant 2 : index
    %swap3A_513 = arith.constant 0 : index
    %swap3A_514 = arith.constant 0 : index
    %swap3A_515 = vector.load %arg17[%swap3A_512, %swap3A_513, %swap3A_514] : memref<5x64x1024xf32, #tpu.memory_space<vmem>>, vector<1x64x1024xf32>
    %swap3A_516 = vector.shape_cast %swap3A_515 : vector<1x64x1024xf32> to vector<64x1024xf32>
    %swap3A_517 = vector.shape_cast %dot_general3A_511 : vector<64x1024xf32> to vector<1x64x1024xf32>
    tpu.vector_store %arg17[%swap3A_512, %swap3A_513, %swap3A_514], %swap3A_517 {strides = array<i32>} : memref<5x64x1024xf32, #tpu.memory_space<vmem>>, vector<1x64x1024xf32>,
    %add3A_518 = arith.constant 3 : i32
    %add3A_519 = arith.addi %mul3A_0, %add3A_518 : i32
    %get3A_520 = arith.index_cast %add3A_519 : i32 to index
    %get3A_521 = arith.constant 0 : index
    %get3A_522 = vector.load %arg5[%get3A_520, %get3A_521] : memref<50x1024xi32, #tpu.memory_space<vmem>>, vector<1x1024xi32>
    %get3A_523 = vector.shape_cast %get3A_522 : vector<1x1024xi32> to vector<1024xi32>
    %broadcast_in_dim3A_524 = vector.shape_cast %get3A_523 : vector<1024xi32> to vector<1x1024xi32>
    %eq3A_525 = vector.broadcast %broadcast_in_dim3A_524 : vector<1x1024xi32> to vector<61x1024xi32>
    %eq3A_526 = arith.cmpi eq, %iota3A_451, %eq3A_525 : vector<61x1024xi32>
    %jit3A_527 = arith.constant 1.000000e+00 : f32
    %jit3A_528 = arith.constant 0.000000e+00 : f32
    %broadcast_in_dim3A_529 = vector.broadcast %jit3A_527 : f32 to vector<61x1024xf32>
    %broadcast_in_dim3A_530 = vector.broadcast %jit3A_528 : f32 to vector<61x1024xf32>
    %select_n3A_531 = arith.select %eq3A_526, %broadcast_in_dim3A_529, %broadcast_in_dim3A_530 : vector<61x1024xi1>, vector<61x1024xf32>
    %dot_general3A_532 = arith.constant dense<0.000000e+00> : vector<64x1024xf32>
    %dot_general3A_533 = tpu.matmul %get3A_450, %select_n3A_531, %dot_general3A_532 {dimension_numbers = #tpu.dot_dimension_numbers<[0], [0], [1], [1], [0, 1, 1, 1], [], []>, precision = #tpu.contract_precision<fp32>, transpose_lhs_hint = false} : vector<61x64xf32>, vector<61x1024xf32>, vector<64x1024xf32> -> vector<64x1024xf32>
    %swap3A_534 = arith.constant 3 : index
    %swap3A_535 = arith.constant 0 : index
    %swap3A_536 = arith.constant 0 : index
    %swap3A_537 = vector.load %arg17[%swap3A_534, %swap3A_535, %swap3A_536] : memref<5x64x1024xf32, #tpu.memory_space<vmem>>, vector<1x64x1024xf32>
    %swap3A_538 = vector.shape_cast %swap3A_537 : vector<1x64x1024xf32> to vector<64x1024xf32>
    %swap3A_539 = vector.shape_cast %dot_general3A_533 : vector<64x1024xf32> to vector<1x64x1024xf32>
    tpu.vector_store %arg17[%swap3A_534, %swap3A_535, %swap3A_536], %swap3A_539 {strides = array<i32>} : memref<5x64x1024xf32, #tpu.memory_space<vmem>>, vector<1x64x1024xf32>,
    %add3A_540 = arith.constant 4 : i32
    %add3A_541 = arith.addi %mul3A_0, %add3A_540 : i32
    %get3A_542 = arith.index_cast %add3A_541 : i32 to index
    %get3A_543 = arith.constant 0 : index
    %get3A_544 = vector.load %arg5[%get3A_542, %get3A_543] : memref<50x1024xi32, #tpu.memory_space<vmem>>, vector<1x1024xi32>
    %get3A_545 = vector.shape_cast %get3A_544 : vector<1x1024xi32> to vector<1024xi32>
    %broadcast_in_dim3A_546 = vector.shape_cast %get3A_545 : vector<1024xi32> to vector<1x1024xi32>
    %eq3A_547 = vector.broadcast %broadcast_in_dim3A_546 : vector<1x1024xi32> to vector<61x1024xi32>
    %eq3A_548 = arith.cmpi eq, %iota3A_451, %eq3A_547 : vector<61x1024xi32>
    %jit3A_549 = arith.constant 1.000000e+00 : f32
    %jit3A_550 = arith.constant 0.000000e+00 : f32
    %broadcast_in_dim3A_551 = vector.broadcast %jit3A_549 : f32 to vector<61x1024xf32>
    %broadcast_in_dim3A_552 = vector.broadcast %jit3A_550 : f32 to vector<61x1024xf32>
    %select_n3A_553 = arith.select %eq3A_548, %broadcast_in_dim3A_551, %broadcast_in_dim3A_552 : vector<61x1024xi1>, vector<61x1024xf32>
    %dot_general3A_554 = arith.constant dense<0.000000e+00> : vector<64x1024xf32>
    %dot_general3A_555 = tpu.matmul %get3A_450, %select_n3A_553, %dot_general3A_554 {dimension_numbers = #tpu.dot_dimension_numbers<[0], [0], [1], [1], [0, 1, 1, 1], [], []>, precision = #tpu.contract_precision<fp32>, transpose_lhs_hint = false} : vector<61x64xf32>, vector<61x1024xf32>, vector<64x1024xf32> -> vector<64x1024xf32>
    %swap3A_556 = arith.constant 4 : index
    %swap3A_557 = arith.constant 0 : index
    %swap3A_558 = arith.constant 0 : index
    %swap3A_559 = vector.load %arg17[%swap3A_556, %swap3A_557, %swap3A_558] : memref<5x64x1024xf32, #tpu.memory_space<vmem>>, vector<1x64x1024xf32>
    %swap3A_560 = vector.shape_cast %swap3A_559 : vector<1x64x1024xf32> to vector<64x1024xf32>
    %swap3A_561 = vector.shape_cast %dot_general3A_555 : vector<64x1024xf32> to vector<1x64x1024xf32>
    tpu.vector_store %arg17[%swap3A_556, %swap3A_557, %swap3A_558], %swap3A_561 {strides = array<i32>} : memref<5x64x1024xf32, #tpu.memory_space<vmem>>, vector<1x64x1024xf32>,
    %get3A_562 = arith.constant 0 : index
    %get3A_563 = arith.constant 0 : index
    %get3A_564 = vector.load %arg12[%get3A_562, %get3A_563] : memref<61x64xf32, #tpu.memory_space<vmem>>, vector<61x64xf32>
    %iota3A_565 = tpu.iota {dimensions = array<i32: 0>} : vector<61x1024xi32>
    %add3A_566 = arith.constant 0 : i32
    %add3A_567 = arith.addi %mul3A_0, %add3A_566 : i32
    %get3A_568 = arith.index_cast %add3A_567 : i32 to index
    %get3A_569 = arith.constant 0 : index
    %get3A_570 = vector.load %arg6[%get3A_568, %get3A_569] : memref<50x1024xi32, #tpu.memory_space<vmem>>, vector<1x1024xi32>
    %get3A_571 = vector.shape_cast %get3A_570 : vector<1x1024xi32> to vector<1024xi32>
    %broadcast_in_dim3A_572 = vector.shape_cast %get3A_571 : vector<1024xi32> to vector<1x1024xi32>
    %eq3A_573 = vector.broadcast %broadcast_in_dim3A_572 : vector<1x1024xi32> to vector<61x1024xi32>
    %eq3A_574 = arith.cmpi eq, %iota3A_565, %eq3A_573 : vector<61x1024xi32>
    %jit3A_575 = arith.constant 1.000000e+00 : f32
    %jit3A_576 = arith.constant 0.000000e+00 : f32
    %broadcast_in_dim3A_577 = vector.broadcast %jit3A_575 : f32 to vector<61x1024xf32>
    %broadcast_in_dim3A_578 = vector.broadcast %jit3A_576 : f32 to vector<61x1024xf32>
    %select_n3A_579 = arith.select %eq3A_574, %broadcast_in_dim3A_577, %broadcast_in_dim3A_578 : vector<61x1024xi1>, vector<61x1024xf32>
    %dot_general3A_580 = arith.constant dense<0.000000e+00> : vector<64x1024xf32>
    %dot_general3A_581 = tpu.matmul %get3A_564, %select_n3A_579, %dot_general3A_580 {dimension_numbers = #tpu.dot_dimension_numbers<[0], [0], [1], [1], [0, 1, 1, 1], [], []>, precision = #tpu.contract_precision<fp32>, transpose_lhs_hint = false} : vector<61x64xf32>, vector<61x1024xf32>, vector<64x1024xf32> -> vector<64x1024xf32>
    %swap3A_582 = arith.constant 0 : index
    %swap3A_583 = arith.constant 0 : index
    %swap3A_584 = arith.constant 0 : index
    %swap3A_585 = vector.load %arg18[%swap3A_582, %swap3A_583, %swap3A_584] : memref<5x64x1024xf32, #tpu.memory_space<vmem>>, vector<1x64x1024xf32>
    %swap3A_586 = vector.shape_cast %swap3A_585 : vector<1x64x1024xf32> to vector<64x1024xf32>
    %swap3A_587 = vector.shape_cast %dot_general3A_581 : vector<64x1024xf32> to vector<1x64x1024xf32>
    tpu.vector_store %arg18[%swap3A_582, %swap3A_583, %swap3A_584], %swap3A_587 {strides = array<i32>} : memref<5x64x1024xf32, #tpu.memory_space<vmem>>, vector<1x64x1024xf32>,
    %add3A_588 = arith.constant 1 : i32
    %add3A_589 = arith.addi %mul3A_0, %add3A_588 : i32
    %get3A_590 = arith.index_cast %add3A_589 : i32 to index
    %get3A_591 = arith.constant 0 : index
    %get3A_592 = vector.load %arg6[%get3A_590, %get3A_591] : memref<50x1024xi32, #tpu.memory_space<vmem>>, vector<1x1024xi32>
    %get3A_593 = vector.shape_cast %get3A_592 : vector<1x1024xi32> to vector<1024xi32>
    %broadcast_in_dim3A_594 = vector.shape_cast %get3A_593 : vector<1024xi32> to vector<1x1024xi32>
    %eq3A_595 = vector.broadcast %broadcast_in_dim3A_594 : vector<1x1024xi32> to vector<61x1024xi32>
    %eq3A_596 = arith.cmpi eq, %iota3A_565, %eq3A_595 : vector<61x1024xi32>
    %jit3A_597 = arith.constant 1.000000e+00 : f32
    %jit3A_598 = arith.constant 0.000000e+00 : f32
    %broadcast_in_dim3A_599 = vector.broadcast %jit3A_597 : f32 to vector<61x1024xf32>
    %broadcast_in_dim3A_600 = vector.broadcast %jit3A_598 : f32 to vector<61x1024xf32>
    %select_n3A_601 = arith.select %eq3A_596, %broadcast_in_dim3A_599, %broadcast_in_dim3A_600 : vector<61x1024xi1>, vector<61x1024xf32>
    %dot_general3A_602 = arith.constant dense<0.000000e+00> : vector<64x1024xf32>
    %dot_general3A_603 = tpu.matmul %get3A_564, %select_n3A_601, %dot_general3A_602 {dimension_numbers = #tpu.dot_dimension_numbers<[0], [0], [1], [1], [0, 1, 1, 1], [], []>, precision = #tpu.contract_precision<fp32>, transpose_lhs_hint = false} : vector<61x64xf32>, vector<61x1024xf32>, vector<64x1024xf32> -> vector<64x1024xf32>
    %swap3A_604 = arith.constant 1 : index
    %swap3A_605 = arith.constant 0 : index
    %swap3A_606 = arith.constant 0 : index
    %swap3A_607 = vector.load %arg18[%swap3A_604, %swap3A_605, %swap3A_606] : memref<5x64x1024xf32, #tpu.memory_space<vmem>>, vector<1x64x1024xf32>
    %swap3A_608 = vector.shape_cast %swap3A_607 : vector<1x64x1024xf32> to vector<64x1024xf32>
    %swap3A_609 = vector.shape_cast %dot_general3A_603 : vector<64x1024xf32> to vector<1x64x1024xf32>
    tpu.vector_store %arg18[%swap3A_604, %swap3A_605, %swap3A_606], %swap3A_609 {strides = array<i32>} : memref<5x64x1024xf32, #tpu.memory_space<vmem>>, vector<1x64x1024xf32>,
    %add3A_610 = arith.constant 2 : i32
    %add3A_611 = arith.addi %mul3A_0, %add3A_610 : i32
    %get3A_612 = arith.index_cast %add3A_611 : i32 to index
    %get3A_613 = arith.constant 0 : index
    %get3A_614 = vector.load %arg6[%get3A_612, %get3A_613] : memref<50x1024xi32, #tpu.memory_space<vmem>>, vector<1x1024xi32>
    %get3A_615 = vector.shape_cast %get3A_614 : vector<1x1024xi32> to vector<1024xi32>
    %broadcast_in_dim3A_616 = vector.shape_cast %get3A_615 : vector<1024xi32> to vector<1x1024xi32>
    %eq3A_617 = vector.broadcast %broadcast_in_dim3A_616 : vector<1x1024xi32> to vector<61x1024xi32>
    %eq3A_618 = arith.cmpi eq, %iota3A_565, %eq3A_617 : vector<61x1024xi32>
    %jit3A_619 = arith.constant 1.000000e+00 : f32
    %jit3A_620 = arith.constant 0.000000e+00 : f32
    %broadcast_in_dim3A_621 = vector.broadcast %jit3A_619 : f32 to vector<61x1024xf32>
    %broadcast_in_dim3A_622 = vector.broadcast %jit3A_620 : f32 to vector<61x1024xf32>
    %select_n3A_623 = arith.select %eq3A_618, %broadcast_in_dim3A_621, %broadcast_in_dim3A_622 : vector<61x1024xi1>, vector<61x1024xf32>
    %dot_general3A_624 = arith.constant dense<0.000000e+00> : vector<64x1024xf32>
    %dot_general3A_625 = tpu.matmul %get3A_564, %select_n3A_623, %dot_general3A_624 {dimension_numbers = #tpu.dot_dimension_numbers<[0], [0], [1], [1], [0, 1, 1, 1], [], []>, precision = #tpu.contract_precision<fp32>, transpose_lhs_hint = false} : vector<61x64xf32>, vector<61x1024xf32>, vector<64x1024xf32> -> vector<64x1024xf32>
    %swap3A_626 = arith.constant 2 : index
    %swap3A_627 = arith.constant 0 : index
    %swap3A_628 = arith.constant 0 : index
    %swap3A_629 = vector.load %arg18[%swap3A_626, %swap3A_627, %swap3A_628] : memref<5x64x1024xf32, #tpu.memory_space<vmem>>, vector<1x64x1024xf32>
    %swap3A_630 = vector.shape_cast %swap3A_629 : vector<1x64x1024xf32> to vector<64x1024xf32>
    %swap3A_631 = vector.shape_cast %dot_general3A_625 : vector<64x1024xf32> to vector<1x64x1024xf32>
    tpu.vector_store %arg18[%swap3A_626, %swap3A_627, %swap3A_628], %swap3A_631 {strides = array<i32>} : memref<5x64x1024xf32, #tpu.memory_space<vmem>>, vector<1x64x1024xf32>,
    %add3A_632 = arith.constant 3 : i32
    %add3A_633 = arith.addi %mul3A_0, %add3A_632 : i32
    %get3A_634 = arith.index_cast %add3A_633 : i32 to index
    %get3A_635 = arith.constant 0 : index
    %get3A_636 = vector.load %arg6[%get3A_634, %get3A_635] : memref<50x1024xi32, #tpu.memory_space<vmem>>, vector<1x1024xi32>
    %get3A_637 = vector.shape_cast %get3A_636 : vector<1x1024xi32> to vector<1024xi32>
    %broadcast_in_dim3A_638 = vector.shape_cast %get3A_637 : vector<1024xi32> to vector<1x1024xi32>
    %eq3A_639 = vector.broadcast %broadcast_in_dim3A_638 : vector<1x1024xi32> to vector<61x1024xi32>
    %eq3A_640 = arith.cmpi eq, %iota3A_565, %eq3A_639 : vector<61x1024xi32>
    %jit3A_641 = arith.constant 1.000000e+00 : f32
    %jit3A_642 = arith.constant 0.000000e+00 : f32
    %broadcast_in_dim3A_643 = vector.broadcast %jit3A_641 : f32 to vector<61x1024xf32>
    %broadcast_in_dim3A_644 = vector.broadcast %jit3A_642 : f32 to vector<61x1024xf32>
    %select_n3A_645 = arith.select %eq3A_640, %broadcast_in_dim3A_643, %broadcast_in_dim3A_644 : vector<61x1024xi1>, vector<61x1024xf32>
    %dot_general3A_646 = arith.constant dense<0.000000e+00> : vector<64x1024xf32>
    %dot_general3A_647 = tpu.matmul %get3A_564, %select_n3A_645, %dot_general3A_646 {dimension_numbers = #tpu.dot_dimension_numbers<[0], [0], [1], [1], [0, 1, 1, 1], [], []>, precision = #tpu.contract_precision<fp32>, transpose_lhs_hint = false} : vector<61x64xf32>, vector<61x1024xf32>, vector<64x1024xf32> -> vector<64x1024xf32>
    %swap3A_648 = arith.constant 3 : index
    %swap3A_649 = arith.constant 0 : index
    %swap3A_650 = arith.constant 0 : index
    %swap3A_651 = vector.load %arg18[%swap3A_648, %swap3A_649, %swap3A_650] : memref<5x64x1024xf32, #tpu.memory_space<vmem>>, vector<1x64x1024xf32>
    %swap3A_652 = vector.shape_cast %swap3A_651 : vector<1x64x1024xf32> to vector<64x1024xf32>
    %swap3A_653 = vector.shape_cast %dot_general3A_647 : vector<64x1024xf32> to vector<1x64x1024xf32>
    tpu.vector_store %arg18[%swap3A_648, %swap3A_649, %swap3A_650], %swap3A_653 {strides = array<i32>} : memref<5x64x1024xf32, #tpu.memory_space<vmem>>, vector<1x64x1024xf32>,
    %add3A_654 = arith.constant 4 : i32
    %add3A_655 = arith.addi %mul3A_0, %add3A_654 : i32
    %get3A_656 = arith.index_cast %add3A_655 : i32 to index
    %get3A_657 = arith.constant 0 : index
    %get3A_658 = vector.load %arg6[%get3A_656, %get3A_657] : memref<50x1024xi32, #tpu.memory_space<vmem>>, vector<1x1024xi32>
    %get3A_659 = vector.shape_cast %get3A_658 : vector<1x1024xi32> to vector<1024xi32>
    %broadcast_in_dim3A_660 = vector.shape_cast %get3A_659 : vector<1024xi32> to vector<1x1024xi32>
    %eq3A_661 = vector.broadcast %broadcast_in_dim3A_660 : vector<1x1024xi32> to vector<61x1024xi32>
    %eq3A_662 = arith.cmpi eq, %iota3A_565, %eq3A_661 : vector<61x1024xi32>
    %jit3A_663 = arith.constant 1.000000e+00 : f32
    %jit3A_664 = arith.constant 0.000000e+00 : f32
    %broadcast_in_dim3A_665 = vector.broadcast %jit3A_663 : f32 to vector<61x1024xf32>
    %broadcast_in_dim3A_666 = vector.broadcast %jit3A_664 : f32 to vector<61x1024xf32>
    %select_n3A_667 = arith.select %eq3A_662, %broadcast_in_dim3A_665, %broadcast_in_dim3A_666 : vector<61x1024xi1>, vector<61x1024xf32>
    %dot_general3A_668 = arith.constant dense<0.000000e+00> : vector<64x1024xf32>
    %dot_general3A_669 = tpu.matmul %get3A_564, %select_n3A_667, %dot_general3A_668 {dimension_numbers = #tpu.dot_dimension_numbers<[0], [0], [1], [1], [0, 1, 1, 1], [], []>, precision = #tpu.contract_precision<fp32>, transpose_lhs_hint = false} : vector<61x64xf32>, vector<61x1024xf32>, vector<64x1024xf32> -> vector<64x1024xf32>
    %swap3A_670 = arith.constant 4 : index
    %swap3A_671 = arith.constant 0 : index
    %swap3A_672 = arith.constant 0 : index
    %swap3A_673 = vector.load %arg18[%swap3A_670, %swap3A_671, %swap3A_672] : memref<5x64x1024xf32, #tpu.memory_space<vmem>>, vector<1x64x1024xf32>
    %swap3A_674 = vector.shape_cast %swap3A_673 : vector<1x64x1024xf32> to vector<64x1024xf32>
    %swap3A_675 = vector.shape_cast %dot_general3A_669 : vector<64x1024xf32> to vector<1x64x1024xf32>
    tpu.vector_store %arg18[%swap3A_670, %swap3A_671, %swap3A_672], %swap3A_675 {strides = array<i32>} : memref<5x64x1024xf32, #tpu.memory_space<vmem>>, vector<1x64x1024xf32>,
    return
  }
  func.func @transform_0(%arg0: i32) -> (i32, i32) {
    %c0_i32 = arith.constant 0 : i32
    %c0_i32_0 = arith.constant 0 : i32
    %c0_i32_1 = arith.constant 0 : i32
    return %c0_i32, %c0_i32_0 : i32, i32
  }
  func.func @transform_1(%arg0: i32) -> (i32, i32) {
    %c0_i32 = arith.constant 0 : i32
    %c0_i32_0 = arith.constant 0 : i32
    %c0_i32_1 = arith.constant 0 : i32
    return %c0_i32, %c0_i32_0 : i32, i32
  }
  func.func @transform_2(%arg0: i32) -> (i32, i32) {
    %c0_i32 = arith.constant 0 : i32
    %c0_i32_0 = arith.constant 0 : i32
    %c0_i32_1 = arith.constant 0 : i32
    return %c0_i32, %c0_i32_0 : i32, i32
  }
  func.func @transform_3(%arg0: i32) -> (i32, i32) {
    %c0_i32 = arith.constant 0 : i32
    %c0_i32_0 = arith.constant 0 : i32
    %c0_i32_1 = arith.constant 0 : i32
    return %c0_i32, %c0_i32_0 : i32, i32
  }
  func.func @transform_4(%arg0: i32) -> (i32, i32) {
    %c0_i32 = arith.constant 0 : i32
    %c0_i32_0 = arith.constant 0 : i32
    %c0_i32_1 = arith.constant 0 : i32
    return %c0_i32, %c0_i32_0 : i32, i32
  }
  func.func @transform_5(%arg0: i32) -> (i32, i32) {
    %c0_i32 = arith.constant 0 : i32
    %c0_i32_0 = arith.constant 0 : i32
    %c0_i32_1 = arith.constant 0 : i32
    return %c0_i32, %c0_i32_0 : i32, i32
  }
  func.func @transform_6(%arg0: i32) -> (i32, i32) {
    %c0_i32 = arith.constant 0 : i32
    %c0_i32_0 = arith.constant 0 : i32
    %c0_i32_1 = arith.constant 0 : i32
    return %c0_i32, %c0_i32_0 : i32, i32
  }
  func.func @transform_7(%arg0: i32) -> (i32, i32) {
    %c0_i32 = arith.constant 0 : i32
    %c0_i32_0 = arith.constant 0 : i32
    %c0_i32_1 = arith.constant 0 : i32
    return %c0_i32, %c0_i32_0 : i32, i32
  }
  func.func @transform_8(%arg0: i32) -> (i32, i32) {
    %c0_i32 = arith.constant 0 : i32
    %c0_i32_0 = arith.constant 0 : i32
    %c0_i32_1 = arith.constant 0 : i32
    return %c0_i32, %c0_i32_0 : i32, i32
  }
  func.func @transform_9(%arg0: i32) -> (i32, i32) {
    %c0_i32 = arith.constant 0 : i32
    %c0_i32_0 = arith.constant 0 : i32
    %c0_i32_1 = arith.constant 0 : i32
    return %c0_i32, %c0_i32_0 : i32, i32
  }
  func.func @transform_10(%arg0: i32) -> (i32, i32) {
    %c0_i32 = arith.constant 0 : i32
    %c0_i32_0 = arith.constant 0 : i32
    %c0_i32_1 = arith.constant 0 : i32
    return %c0_i32, %c0_i32_0 : i32, i32
  }
  func.func @transform_11(%arg0: i32) -> (i32, i32) {
    %c0_i32 = arith.constant 0 : i32
    %c0_i32_0 = arith.constant 0 : i32
    %c0_i32_1 = arith.constant 0 : i32
    return %c0_i32, %c0_i32_0 : i32, i32
  }
  func.func @transform_12(%arg0: i32) -> (i32, i32, i32) {
    %c0_i32 = arith.constant 0 : i32
    %c0_i32_0 = arith.constant 0 : i32
    %c0_i32_1 = arith.constant 0 : i32
    return %arg0, %c0_i32, %c0_i32_0 : i32, i32, i32
  }
  func.func @transform_13(%arg0: i32) -> (i32, i32, i32) {
    %c0_i32 = arith.constant 0 : i32
    %c0_i32_0 = arith.constant 0 : i32
    %c0_i32_1 = arith.constant 0 : i32
    return %arg0, %c0_i32, %c0_i32_0 : i32, i32, i32
  }
  func.func @transform_14(%arg0: i32) -> (i32, i32, i32) {
    %c0_i32 = arith.constant 0 : i32
    %c0_i32_0 = arith.constant 0 : i32
    %c0_i32_1 = arith.constant 0 : i32
    return %arg0, %c0_i32, %c0_i32_0 : i32, i32, i32
  }
  func.func @transform_15(%arg0: i32) -> (i32, i32, i32) {
    %c0_i32 = arith.constant 0 : i32
    %c0_i32_0 = arith.constant 0 : i32
    %c0_i32_1 = arith.constant 0 : i32
    return %arg0, %c0_i32, %c0_i32_0 : i32, i32, i32
  }
  func.func @transform_16(%arg0: i32) -> (i32, i32, i32) {
    %c0_i32 = arith.constant 0 : i32
    %c0_i32_0 = arith.constant 0 : i32
    %c0_i32_1 = arith.constant 0 : i32
    return %arg0, %c0_i32, %c0_i32_0 : i32, i32, i32
  }
  func.func @transform_17(%arg0: i32) -> (i32, i32, i32) {
    %c0_i32 = arith.constant 0 : i32
    %c0_i32_0 = arith.constant 0 : i32
    %c0_i32_1 = arith.constant 0 : i32
    return %arg0, %c0_i32, %c0_i32_0 : i32, i32, i32
  }
}

</mosaic_0001>

<sc_bundles>
// kernel: kernel.4.cloned.1.call-start
scs
__scs_entry_jumppad:
0x0: {  	(pc) =	sbr.rel $0x88, $3  }
0x1: {  	(tag) =	ssettag $0x0;
	lr =	simm.s32 $0x1  }
0x2: {  	[smem:$0x3F93] =	sst lr;
	_ =	strace $0xD0000000  }
0x3: {  	_ = 	snop  }
0x4: {  	_ = 	snop  }
0x5: {  	_ = 	snop  }
0x6: {  	_ = 	snop  }
0x7: {  	_ = 	snop  }
__scs_overlays_trampoline_lowered:
0x8: {  	[smem:$0x3FA2] =	sst s0  }
0x9: {  	[smem:$0x3FA3] =	sst s1  }
0xa: {  	[smem:$0x3FA4] =	sst s2  }
0xb: {  	[smem:$0x3FA5] =	sst s3  }
0xc: {  	[smem:$0x3FA6] =	sst s4  }
0xd: {  	[smem:$0x3FA7] =	sst s5  }
0xe: {  	[smem:$0x3FA8] =	sst s6  }
0xf: {  	[smem:$0x3FA9] =	sst s7  }
0x10: {  	[smem:$0x3FAA] =	sst s8  }
0x11: {  	[smem:$0x3FAB] =	sst s9;
	s0 =	simm.s32 @!p0 $0x0  }
0x12: {  	s1 =	sld [smem:$0x3F91];
	s0 =	simm.s32 @p0 $0x1  }
0x13: {  	[smem:$0x3FAC] =	sst s0;
	s0 =	simm.s32 @!p1 $0x0  }
0x14: {  	s2 =	sld [smem:$0x3F90];
	s0 =	simm.s32 @p1 $0x1  }
0x15: {  	[smem:$0x3FAD] =	sst s0;
	s0 =	simm.s32 @!p2 $0x0  }
0x16: {  	s3 =	sld [smem:$0x3FDB];
	s0 =	simm.s32 @p2 $0x1  }
0x17: {  	s4 =	simm.s32 $0x1BF5;
	[smem:$0x3FAF] =	sst s0  }
0x18: {  	s0 =	sld [smem:$0x3F92];
	_ =	swait.ge [sflag:s4], $0x0  }
0x19: {  	s7 =	sld [smem:$0x3F93]  }
0x1a: {  	s8 =	sadd.s32 $0xFFFFE003, lr  }
0x1b: {  	s9 =	sadd.s32 $0xFFFFFEF7, lr;
	s5 =	simm.s32 $0xFFFFFFFF;
	p2 =	slt.u32 s8, $0xFFFFF086  }
0x1c: {  	p1 =	slt.u32 s9, $0xF7A;
	s5 =	simm.s32 @!p2 $0x0  }
0x1d: {  	s5 =	simm.s32 @p1 $0x1;
	p0 =	seq.s32 s7, s2  }
0x1e: {  	s7 =	smul.u32 @!p0 $0xF7A, s2;
	p2 =	seq.s32 @!p0 s5, $0x0  }
0x1f: {  	s9 =	smul.u32 $0xF7A, s1;
	s8 =	simm.s32 @!p0 $0x1BF5;
	p2 =	por !p2, p0  }
0x20: {  	[sflag:s8] =	ssyncset.s32 @!p0 $0xFFFFF086;
	s6 =	sadd.s32 @!p0 s3, s7;
	s7 =	simm.s32 @!p0 $0x108  }
0x21: {  	s3 =	sadd.s32 s3, s9;
	s6 =	sadd.s32 @!p0 $0x88, s6;
	s7 =	simm.s32 @p2 $0x1082  }
0x22: {  	[simem:s7], [sflag:s8] =	dma.local @!p0 [hbm:s6], $0xF7A  }
0x23: {  	s9 =	sor.u32 $0xD0000000, s2;
	s6 =	simm.s32 $0x108;
	_ =	swait.ge @!p0 [sflag:s8], $0x0  }
0x24: {  	s3 =	sadd.s32 $0x88, s3;
	s6 =	simm.s32 @!p1 $0x1082;
	[sflag:s4] =	ssyncset.s32 $0xFFFFF086  }
0x25: {  	[simem:s6], [sflag:s4] =	dma.local [hbm:s3], $0xF7A  }
0x26: {  	[smem:$0x3F93] =	sst s1;
	(tag) =	ssettag s2;
	_ =	strace s9  }
0x27: {  	s1 =	sld [smem:$0x3FA3]  }
0x28: {  	s2 =	sld [smem:$0x3FA4]  }
0x29: {  	s4 =	sld [smem:$0x3FA6]  }
0x2a: {  	p0 =	seq.s32 s5, $0x0;
	s5 =	sld [smem:$0x3FA7]  }
0x2b: {  	s6 =	sld [smem:$0x3FA8]  }
0x2c: {  	s7 =	sld [smem:$0x3FA9]  }
0x2d: {  	s3 =	simm.s32 $0x108;
	s8 =	sld [smem:$0x3FAA]  }
0x2e: {  	s3 =	simm.s32 @!p0 $0x1082;
	s9 =	sld [smem:$0x3FAB]  }
0x2f: {  	lr =	sadd.s32 s0, s3;
	s0 =	sld [smem:$0x3FA2]  }
0x30: {  	s3 =	sld [smem:$0x3FA5]  }
0x31: {  	[smem:$0x3FAE] =	sst s10  }
0x32: {  	s10 =	sld [smem:$0x3FAC];
	_ =	sdelay $0x3  }
0x33: {  	p0 =	seq.s32 s10, $0x1;
	s10 =	sld [smem:$0x3FAE];
	_ =	sdelay $0x3  }
0x34: {  	[smem:$0x3FAE] =	sst s10  }
0x35: {  	s10 =	sld [smem:$0x3FAD];
	_ =	sdelay $0x3  }
0x36: {  	p1 =	seq.s32 s10, $0x1;
	s10 =	sld [smem:$0x3FAE];
	_ =	sdelay $0x3  }
0x37: {  	[smem:$0x3FAE] =	sst s10  }
0x38: {  	s10 =	sld [smem:$0x3FAF]  }
0x39: {  	_ = 	snop;
	(pc) =	sbr.ind lr, $3  }
0x3a: {  	_ = 	snop  }
0x3b: {  	_ = 	snop  }
0x3c: {  	p2 =	seq.s32 s10, $0x1;
	s10 =	sld [smem:$0x3FAE]  }
0x3d: {  	_ =	shalt  }
0x3e: {  	_ =	shalt  }
0x3f: {  	_ =	shalt  }
0x40: {  	_ =	shalt  }
0x41: {  	_ =	shalt  }
0x42: {  	_ =	shalt  }
0x43: {  	_ =	shalt  }
0x44: {  	_ =	shalt  }
0x45: {  	_ =	shalt  }
0x46: {  	_ =	shalt  }
0x47: {  	_ =	shalt  }
0x48: {  	_ =	shalt  }
0x49: {  	_ =	shalt  }
0x4a: {  	_ =	shalt  }
0x4b: {  	_ =	shalt  }
0x4c: {  	_ =	shalt  }
0x4d: {  	_ =	shalt  }
0x4e: {  	_ =	shalt  }
0x4f: {  	_ =	shalt  }
0x50: {  	_ =	shalt  }
0x51: {  	_ =	shalt  }
0x52: {  	_ =	shalt  }
0x53: {  	_ =	shalt  }
0x54: {  	_ =	shalt  }
0x55: {  	_ =	shalt  }
0x56: {  	_ =	shalt  }
0x57: {  	_ =	shalt  }
0x58: {  	_ =	shalt  }
0x59: {  	_ =	shalt  }
0x5a: {  	_ =	shalt  }
0x5b: {  	_ =	shalt  }
0x5c: {  	_ =	shalt  }
0x5d: {  	_ =	shalt  }
0x5e: {  	_ =	shalt  }
0x5f: {  	_ =	shalt  }
0x60: {  	_ =	shalt  }
0x61: {  	_ =	shalt  }
0x62: {  	_ =	shalt  }
0x63: {  	_ =	shalt  }
0x64: {  	_ =	shalt  }
0x65: {  	_ =	shalt  }
0x66: {  	_ =	shalt  }
0x67: {  	_ =	shalt  }
0x68: {  	_ =	shalt  }
0x69: {  	_ =	shalt  }
0x6a: {  	_ =	shalt  }
0x6b: {  	_ =	shalt  }
0x6c: {  	_ =	shalt  }
0x6d: {  	_ =	shalt  }
0x6e: {  	_ =	shalt  }
0x6f: {  	_ =	shalt  }
0x70: {  	_ =	shalt  }
0x71: {  	_ =	shalt  }
0x72: {  	_ =	shalt  }
0x73: {  	_ =	shalt  }
0x74: {  	_ =	shalt  }
0x75: {  	_ =	shalt  }
0x76: {  	_ =	shalt  }
0x77: {  	_ =	shalt  }
0x78: {  	_ =	shalt  }
0x79: {  	_ =	shalt  }
0x7a: {  	_ =	shalt  }
0x7b: {  	_ =	shalt  }
0x7c: {  	_ =	shalt  }
0x7d: {  	_ =	shalt  }
0x7e: {  	_ =	shalt  }
0x7f: {  	_ =	shalt  }
0x80: {  	_ =	shalt  }
0x81: {  	_ =	shalt  }
0x82: {  	_ =	shalt  }
0x83: {  	_ =	shalt  }
0x84: {  	_ =	shalt  }
0x85: {  	_ =	shalt  }
0x86: {  	_ =	shalt  }
0x87: {  	_ =	shalt  }
.Lfunc_end0:
.L_simem_size_0:
called_computation_lowered:
.L_overlay_start_0:
0x88: {  	s2 =	sld [smem:$0x3FD9]  }
0x89: {  	s3 =	sld [smem:$0x3FFE];
	_ =	sdelay $0x1  }
0x8a: {  	s1 =	srdreg.scid  }
0x8b: {  	s0 =	sand.u32 $0x1, s1  }
0x8c: {  	s14 =	sshll.u32 s0, $0xA;
	s2 =	sadd.s32 s3, s2  }
0x8d: {  	s2 =	sadd.s32 s2, s14  }
0x8e: {  	[smem:$0x3FBA] =	sst s2  }
0x8f: {  	_ = 	snop  }
0x90: {  	s2 =	sld [smem:$0x3FD0];
	_ =	sdelay $0x2  }
0x91: {  	s15 =	simm.s32 $0xA;
	s4 =	simm.s32 $0x10  }
0x92: {  	[smem:s4], [sflag:s15] =	dma.local [hbm:s2], $0x1  }
0x93: {  	_ =	swait.eq [sflag:s15], $0x1  }
0x94: {  	[sflag:s15] =	ssyncset.done $0x0  }
0x95: {  	[sflag:s15] =	ssyncadd.s32 $0xFFFFFFFF  }
0x96: {  	s16 =	sld [smem:$0x10];
	(tm) =	ssettm $0x1  }
0x97: {  	s17 =	sld [smem:$0x3FFB];
	_ =	sdelay $0x3  }
0x98: {  	_ =	strace s17  }
0x99: {  	s3 =	sld [smem:$0x3FFC];
	_ =	sdelay $0x3  }
0x9a: {  	_ =	strace s3  }
0x9b: {  	s3 =	sld [smem:$0x3FFD];
	_ =	sdelay $0x3  }
0x9c: {  	_ =	strace s3  }
0x9d: {  	_ =	strace $0x8FFFFFFF  }
0x9e: {  	s18 =	sld [smem:$0x3FDB];
	_ =	sdelay $0x1  }
0x9f: {  	s19 =	simm.s32 $_scs_section_size  }
0xa0: {  	s5 =	simm.s32 $_size__tile_overlayer_lowered;
	s6 =	simm.s32 $_tile_overlayer_lowered  }
0xa1: {  	s22 =	simm.s32 $0x1BFF;
	s21 =	sshll.u32 s6, $0x1;
	s3 =	sadd.s32 s19, s18  }
0xa2: {  	s7 =	simm.s32 $0x0;
	s20 =	sshll.u32 s5, $0x1;
	s5 =	sadd.s32 s21, s3  }
0xa3: {  	[timem:s7], [sflag:s22] =	dma.local [hbm:s5], s20  }
0xa4: {  	_ =	swait.ge [sflag:s22], s20  }
0xa5: {  	s4 =	ssub.s32 $0x0, s20;
	[sflag:s22] =	ssyncset.done $0x0  }
0xa6: {  	[sflag:s22] =	ssyncadd.s32 s4;
	_ =	sdelay $0x1  }
0xa7: {  	s23 =	simm.s32 $0x1B8B  }
0xa8: {  	_ =	swait.ge [sflag:s23], $0x1  }
0xa9: {  	[sflag:s23] =	ssyncset.done $0x0  }
0xaa: {  	s25 =	simm.s32 $0x1B8E;
	s24 =	sld [smem:$0x3FFE];
	[sflag:s23] =	ssyncadd.s32 $0xFFFFFFFF  }
0xab: {  	s26 =	simm.s32 $execute0_lowered;
	[smem:$0x3FD2] =	sst s25  }
0xac: {  	s5 =	sshll.u32 s26, $0x1;
	_ =	strace $0x80000046;
	[dreg:$0x1] =	wrdreg $0xFFFFFFFF  }
0xad: {  	s28 =	simm.s32 $_size_execute0_lowered;
	s3 =	sadd.s32 s3, s5;
	[dreg:$0x0] =	wrdreg $0x0  }
0xae: {  	s5 =	sshll.u32 s28, $0x1;
	[dreg:$0x2] =	wrdreg s3  }
0xaf: {  	[dreg:$0x3] =	wrdreg s5  }
0xb0: {  	[dreg:$0x4] =	wrdreg $0xC0  }
0xb1: {  	_ =	task [dreg:s7], $0x5FFFF  }
0xb2: {  	[dreg:$0x1] =	wrdreg $0xFFFFFFFF  }
0xb3: {  	[dreg:$0x0] =	wrdreg $0x60  }
0xb4: {  	[dreg:$0x2] =	wrdreg s24  }
0xb5: {  	[dreg:$0x3] =	wrdreg s16  }
0xb6: {  	[dreg:$0x4] =	wrdreg $0x9  }
0xb7: {  	_ =	task.clear_ibuf [dreg:s7], $0x5FFFF;
	_ =	strace $0x90000046  }
0xb8: {  	s29 =	simm.s32 $0x9;
	_ =	strace $0x80000048  }
0xb9: {  	_ =	swait.ge [sflag:s29], $0x1  }
0xba: {  	[sflag:s29] =	ssyncadd.s32 $0xFFFFFFFF  }
0xbb: {  	_ =	strace $0x90000048  }
0xbc: {  	_ =	sfence  }
0xbd: {  	s30 =	sld [smem:$0x0];
	_ =	sdelay $0x2  }
0xbe: {  	s31 =	sshll.u32 s1, $0xD;
	s1 =	sshrl.u32 s1, $0x2  }
0xbf: {  	s3 =	sand.u32 $0x4000, s31;
	s1 =	sadd.s32 s1, s30  }
0xc0: {  	s0 =	sor.u32 s3, s0;
	s1 =	sshll.u32 s1, $0x11  }
0xc1: {  	s0 =	sor.u32 s1, s0  }
0xc2: {  	s0 =	sadd.s32 $0x8F2B, s0  }
0xc3: {  	[sflag:s0] =	ssyncadd.remote.s32 $0x1  }
0xc4: {  	_ =	sfence.sel $0xFFFF  }
0xc5: {  	[dreg:$0x0] =	wrdreg $0xFFFFFFFF;
	(pc) =	sbr.abs _section_cstart, $3  }
0xc6: {  	[dreg:$0x1] =	wrdreg $0xFFFFFFFF  }
0xc7: {  	_ =	task.clear_ibuf [dreg:s7], $0x2FFFF;
	_ =	strace $0x9FFFFFFF  }
0xc8: {  	(tm) =	ssettm $0x7FFFFFFF  }
0xc9: {  	_ =	shalt  }
tec
execute0_lowered:
.L_overlay_start_1:
0x0: {  	(tag) =	ssettag $0x1  }
0x1: {  	s3 =	rddreg [dreg:$0x0];
	s1 =	srdreg.scid  }
0x2: {  	s0 =	stileid.u32;
	s5 =	rddreg [dreg:$0x1]  }
0x3: {  	s2 =	simm.s32 $0x0;
	s10 =	simm.s32 $0x3;
	s11 =	simm.s32 $0x190  }
0x4: {  	s12 =	simm.s32 $0x1;
	s13 =	simm.s32 $0x2;
	s14 =	simm.s32 $0x320  }
0x5: {  	s15 =	simm.s32 $0x4B0;
	s4 =	sand.u32 $0x1, s1;
	s6 =	sshll.u32 s0, $0x1  }
0x6: {  	s16 =	simm.s32 $0x0;
	s1 =	rddreg [dreg:$0x2];
	s6 =	sor.u32 s4, s6  }
0x7: {  	[smem:$0x7FF] =	sst s2;
	s4 =	ssub.s32 $0x2, s4;
	s7 =	smul.u32 $0xC8, s6  }
0x8: {  	_ =	strace $0x80000047;
	s8 =	smul.u32 $0x19000, s6;
	s9 =	sshrl.u32 s4, $0x1  }
0x9: {  	s6 =	smul.u32 $0x3200, s6;
	s9 =	ssub.s32 s4, s9;
	s7 =	sadd.s32 s7, s3  }
0xa: {  	s3 =	sadd.s32 $0xF45E00, s3;
	s8 =	sshrl.u32 s8, $0x3;
	s9 =	smax.u32 s9, $0x1  }
0xb: {  	s4 =	sadd.s32 $0x1E00, s7;
	s8 =	sadd.s32 s5, s8;
	s5 =	sadd.s32 s5, s6  }
0xc: {  	s6 =	sadd.s32 $0xC80, s8;
	s7 =	sadd.s32 $0x1900, s8;
	s8 =	sadd.s32 $0x2580, s8  }
.LBB2_1:
0xd: {  	[tilespmem:s2], [sflag:$0x3] =	stream.linear.gather [hbm4b:s4+s2], $0x640, $0x38;
	[tilespmem:$0x19640] =	vst v63  }
0xe: {  	_ =	swait.ge [sflag:s10], $0x640  }
0xf: {  	[sflag:s10] =	ssyncset.done $0x0  }
0x10: {  	s17 =	simm.s32 $0x640;
	[sflag:s10] =	ssyncadd.s32 $0xFFFFF9C0  }
0x11: {  	[tilespmem:s17], [sflag:$0x1] =	stream.indirect.gather [hbm4b:s3+s11], $0x80, s2, s11, $0xb8;
	[tilespmem:$0x19640] =	vst v63  }
0x12: {  	_ =	swait.ge [sflag:s12], $0xC800  }
0x13: {  	s18 =	simm.s32 $0x8;
	[sflag:s12] =	ssyncset.done $0x0  }
0x14: {  	s20 =	sadd.s32 $0x0, s5;
	s19 =	simm.s32 $0x6C0;
	[sflag:s12] =	ssyncadd.s32 $0xFFFF3800  }
.LBB2_2:
0x15: {  	[hbm4b:s20+s2] =	stream.linear.scatter [tilespmem:s17], [sflag:$0x2], $0x40, $0x38;
	[tilespmem:$0x19640] =	vst v63  }
0x16: {  	s20 =	smov.u32 s18;
	s17 =	smov.u32 s19;
	p0 =	sne.s32 s18, $0xC78  }
.Ltmp0:
0x17: {  	s18 =	sadd.s32 $0x8, s18;
	(pc) =	sbr.rel @p0 .LBB2_2-.Ltmp0, $2  }
0x18: {  	_ =	sdelay $0x2  }
0x19: {  	s19 =	sadd.s32 $0x80, s19;
	s20 =	sadd.s32 s20, s5  }
0x1a: {  	[hbm4b:s20+s2] =	stream.linear.scatter [tilespmem:s17], [sflag:$0x2], $0x40, $0x38;
	[tilespmem:$0x19640] =	vst v63  }
0x1b: {  	s17 =	simm.s32 $0xCE40  }
0x1c: {  	[tilespmem:s17], [sflag:$0x1] =	stream.indirect.gather [hbm4b:s3+s11], $0x80, s11, s11, $0xb8;
	[tilespmem:$0x19640] =	vst v63  }
0x1d: {  	_ =	swait.ge [sflag:s12], $0xC800  }
0x1e: {  	s18 =	simm.s32 $0x8;
	[sflag:s12] =	ssyncset.done $0x0  }
0x1f: {  	s20 =	sadd.s32 $0x0, s6;
	s19 =	simm.s32 $0xCEC0;
	[sflag:s12] =	ssyncadd.s32 $0xFFFF3800  }
.LBB2_4:
0x20: {  	[hbm4b:s20+s2] =	stream.linear.scatter [tilespmem:s17], [sflag:$0x2], $0x40, $0x38;
	[tilespmem:$0x19640] =	vst v63  }
0x21: {  	s20 =	smov.u32 s18;
	s17 =	smov.u32 s19;
	p0 =	sne.s32 s18, $0xC78  }
.Ltmp1:
0x22: {  	s18 =	sadd.s32 $0x8, s18;
	(pc) =	sbr.rel @p0 .LBB2_4-.Ltmp1, $2  }
0x23: {  	_ =	sdelay $0x2  }
0x24: {  	s19 =	sadd.s32 $0x80, s19;
	s20 =	sadd.s32 s20, s6  }
0x25: {  	[hbm4b:s20+s2] =	stream.linear.scatter [tilespmem:s17], [sflag:$0x2], $0x40, $0x38;
	[tilespmem:$0x19640] =	vst v63  }
0x26: {  	_ =	swait.ge [sflag:s13], $0x6400  }
0x27: {  	[sflag:s13] =	ssyncset.done $0x0  }
0x28: {  	s17 =	simm.s32 $0x640;
	[sflag:s13] =	ssyncadd.s32 $0xFFFF9C00  }
0x29: {  	[tilespmem:s17], [sflag:$0x1] =	stream.indirect.gather [hbm4b:s3+s11], $0x80, s14, s11, $0xb8;
	[tilespmem:$0x19640] =	vst v63  }
0x2a: {  	_ =	swait.ge [sflag:s12], $0xC800  }
0x2b: {  	s18 =	simm.s32 $0x8;
	[sflag:s12] =	ssyncset.done $0x0  }
0x2c: {  	s20 =	sadd.s32 $0x0, s7;
	s19 =	simm.s32 $0x6C0;
	[sflag:s12] =	ssyncadd.s32 $0xFFFF3800  }
.LBB2_6:
0x2d: {  	[hbm4b:s20+s2] =	stream.linear.scatter [tilespmem:s17], [sflag:$0x2], $0x40, $0x38;
	[tilespmem:$0x19640] =	vst v63  }
0x2e: {  	s20 =	smov.u32 s18;
	s17 =	smov.u32 s19;
	p0 =	sne.s32 s18, $0xC78  }
.Ltmp2:
0x2f: {  	s18 =	sadd.s32 $0x8, s18;
	(pc) =	sbr.rel @p0 .LBB2_6-.Ltmp2, $2  }
0x30: {  	_ =	sdelay $0x2  }
0x31: {  	s19 =	sadd.s32 $0x80, s19;
	s20 =	sadd.s32 s20, s7  }
0x32: {  	[hbm4b:s20+s2] =	stream.linear.scatter [tilespmem:s17], [sflag:$0x2], $0x40, $0x38;
	[tilespmem:$0x19640] =	vst v63  }
0x33: {  	_ =	swait.ge [sflag:s13], $0x6400  }
0x34: {  	[sflag:s13] =	ssyncset.done $0x0  }
0x35: {  	s17 =	simm.s32 $0xCE40;
	[sflag:s13] =	ssyncadd.s32 $0xFFFF9C00  }
0x36: {  	[tilespmem:s17], [sflag:$0x1] =	stream.indirect.gather [hbm4b:s3+s11], $0x80, s15, s11, $0xb8;
	[tilespmem:$0x19640] =	vst v63  }
0x37: {  	_ =	swait.ge [sflag:s12], $0xC800  }
0x38: {  	s18 =	simm.s32 $0x8;
	[sflag:s12] =	ssyncset.done $0x0  }
0x39: {  	s20 =	sadd.s32 $0x0, s8;
	s19 =	simm.s32 $0xCEC0;
	[sflag:s12] =	ssyncadd.s32 $0xFFFF3800  }
.LBB2_8:
0x3a: {  	[hbm4b:s20+s2] =	stream.linear.scatter [tilespmem:s17], [sflag:$0x2], $0x40, $0x38;
	[tilespmem:$0x19640] =	vst v63  }
0x3b: {  	s20 =	smov.u32 s18;
	s17 =	smov.u32 s19;
	p0 =	sne.s32 s18, $0xC78  }
.Ltmp3:
0x3c: {  	s18 =	sadd.s32 $0x8, s18;
	(pc) =	sbr.rel @p0 .LBB2_8-.Ltmp3, $2  }
0x3d: {  	_ =	sdelay $0x2  }
0x3e: {  	s19 =	sadd.s32 $0x80, s19;
	s20 =	sadd.s32 s20, s8  }
0x3f: {  	[hbm4b:s20+s2] =	stream.linear.scatter [tilespmem:s17], [sflag:$0x2], $0x40, $0x38;
	[tilespmem:$0x19640] =	vst v63  }
0x40: {  	s16 =	sadd.s32 $0x1, s16  }
0x41: {  	_ =	swait.ge [sflag:s13], $0x6400;
	p0 =	sne.s32 s16, s9  }
.Ltmp4:
0x42: {  	[sflag:s13] =	ssyncset.done $0x0;
	(pc) =	sbr.rel @p0 .LBB2_1-.Ltmp4, $4  }
0x43: {  	[sflag:s13] =	ssyncadd.s32 $0xFFFF9C00  }
0x44: {  	_ =	swait.ge [sflag:s13], $0x6400  }
0x45: {  	[sflag:s13] =	ssyncset.done $0x0  }
0x46: {  	[sflag:s13] =	ssyncadd.s32 $0xFFFF9C00  }
0x47: {  	_ =	sfence.sel $0x180000  }
0x48: {  	[bflag:$0x0] =	sbarrier.arrive $0xFFFF  }
0x49: {  	p0 =	sne.s32 s0, $0x0;
	_ =	strace $0x90000047  }
0x4a: {  	s0 =	sadd.s32 @!p0 $0x100000, s1;
	[bflag:$0x2] =	sbarrier.arrive $0xFFFF  }
0x4b: {  	[sflag:s0] =	ssyncadd.tile.s32 @!p0 $0x1;
	_ =	shalt  }
.Lfunc_end2:
_tile_overlayer_lowered:
.L_overlay_start_2:
0x4c: {  	(tag) =	ssettag $0x2  }
0x4d: {  	s0 =	rddreg [dreg:$0x0];
	s2 =	stileid.u32  }
0x4e: {  	s1 =	rddreg [dreg:$0x1];
	p0 =	sne.s32 s2, $0x0  }
0x4f: {  	s3 =	rddreg [dreg:$0x2];
	[bflag:$0x3] =	sbarrier.arrive $0xFFFF;
	s2 =	simm.s32 @!p0 $0x1C03  }
0x50: {  	[timem:s3], [sflag:s2] =	dma.local @!p0 [hbm:s0], s1  }
0x51: {  	s0 =	simm.s32 @!p0 $0x3  }
0x52: {  	_ =	swait.ge @!p0 [sflag:s0], s1  }
0x53: {  	s1 =	ssub.s32 @!p0 $0x0, s1;
	[sflag:s0] =	ssyncset.done @!p0 $0x0  }
0x54: {  	[sflag:s0] =	ssyncadd.s32 @!p0 s1  }
0x55: {  	[bflag:$0x3] =	sbarrier.arrive $0xFFFF  }
0x56: {  	_ =	shalt  }

</sc_bundles>
